<compile_context>
chip_gen: v7x
topology: tpu7x:2x2x1
jax: 0.10.2.dev20260603
libtpu: 0.0.44.dev20260713+nightly
codegen_flags: <defaults>
</compile_context>

<pallas_src>
import functools

import jax
import jax.numpy as jnp
from jax import lax
from jax.experimental import pallas as pl
from jax.experimental.pallas import tpu as pltpu
from jax.experimental.pallas import tpu_sc as plsc

_F32 = jnp.float32

_NSRC0, _NDST0 = 10000, 5000
_NSRC1, _NDST1 = 5000, 2500
_E0, _E1 = 160000, 80000
_IN, _H, _C = 256, 256, 16

_NC, _NS = 2, 16
_NW = _NC * _NS

_K0 = 32
_CHA0, _CHB0 = 272, 48
_TOT0 = _NS * (_CHA0 + _CHB0)
_PAD0 = _TOT0 + (_CHA0 - _CHB0)

_K1 = 128
_CHA1, _CHB1 = 20, 20
_TOT1 = _NS * (_CHA1 + _CHB1)
_PAD1 = _TOT1 + (_CHA1 - _CHB1)

_A0R = 5008
_A1R = 2560
_CW = 16


def _seg_body(cha, chb, kk, width, arows, xsrc, sidx, didx, zrows, zcnt,
              out, outc, sidx_v, didx_v, b0, b1, g0, g1, ones_v, acc, accc):
    c = lax.axis_index("c")
    s = lax.axis_index("s")
    rpt = arows // _NS
    nch = jnp.where(c == 0, cha, chb)
    off = jnp.where(c == 0, s * cha, _NS * cha + s * chb)
    bufs = (b0, b1)
    gsem = (g0, g1)

    def start_g(j, b):
        pltpu.async_copy(xsrc.at[sidx_v.at[j]], bufs[b], gsem[b])

    def wait_g(b):
        pltpu.make_async_copy(xsrc.at[pl.ds(0, kk)], bufs[b], gsem[b]).wait()

    def scat(j, b):
        pltpu.sync_copy(bufs[b], acc.at[didx_v.at[j]], add=True)
        pltpu.sync_copy(ones_v, accc.at[didx_v.at[j]], add=True)

    pltpu.sync_copy(zrows.at[pl.ds(s * rpt, rpt)], acc.at[pl.ds(s * rpt, rpt)])
    pltpu.sync_copy(zcnt.at[pl.ds(s * rpt, rpt)], accc.at[pl.ds(s * rpt, rpt)])
    pltpu.sync_copy(zcnt.at[pl.ds(arows, kk)], ones_v)
    pltpu.sync_copy(sidx.at[pl.ds(off, cha)], sidx_v)
    pltpu.sync_copy(didx.at[pl.ds(off, cha)], didx_v)
    plsc.subcore_barrier()

    start_g(0, 0)

    @pl.loop(0, nch - 2, step=2)
    def _(j):
        start_g(j + 1, 1)
        wait_g(0)
        scat(j, 0)
        start_g(j + 2, 0)
        wait_g(1)
        scat(j + 1, 1)

    start_g(nch - 1, 1)
    wait_g(0)
    scat(nch - 2, 0)
    wait_g(1)
    scat(nch - 1, 1)

    plsc.subcore_barrier()
    pltpu.sync_copy(acc.at[pl.ds(s * rpt, rpt)],
                    out.at[c].at[pl.ds(s * rpt, rpt)])
    pltpu.sync_copy(accc.at[pl.ds(s * rpt, rpt)],
                    outc.at[c].at[pl.ds(s * rpt, rpt)])


def _seg_call(xsrc, sidx, didx, cha, chb, kk, arows):
    width = xsrc.shape[1]
    dt = xsrc.dtype
    body = functools.partial(_seg_body, cha, chb, kk, width, arows)
    zrows = jnp.zeros((arows, width), dt)
    zcnt = jnp.concatenate([jnp.zeros((arows, _CW), _F32),
                            jnp.ones((kk, _CW), _F32)])
    return pl.kernel(
        body,
        out_type=[
            jax.ShapeDtypeStruct((_NC, arows, width), dt),
            jax.ShapeDtypeStruct((_NC, arows, _CW), _F32),
        ],
        mesh=plsc.VectorSubcoreMesh(core_axis_name="c", subcore_axis_name="s"),
        scratch_types=[
            pltpu.VMEM((cha, kk), jnp.int32),
            pltpu.VMEM((cha, kk), jnp.int32),
            pltpu.VMEM((kk, width), dt),
            pltpu.VMEM((kk, width), dt),
            pltpu.SemaphoreType.DMA,
            pltpu.SemaphoreType.DMA,
            pltpu.VMEM((kk, _CW), _F32),
            pltpu.VMEM_SHARED((arows, width), dt),
            pltpu.VMEM_SHARED((arows, _CW), _F32),
        ],
        compiler_params=pltpu.CompilerParams(use_tc_tiling_on_sc=False),
    )(xsrc, sidx, didx, zrows, zcnt)


def _mid_body(x_ref, p_ref, pc_ref, w1_ref, b1_ref, w2_ref, g_ref, hd_ref):
    xd = x_ref[...]
    sums = p_ref[0][...].astype(_F32) + p_ref[1][...].astype(_F32)
    cnt = pc_ref[0][:, :1] + pc_ref[1][:, :1]
    nbar = sums / jnp.maximum(cnt, 1.0)
    w1 = w1_ref[...]
    h = lax.dot_general(xd, w1[:, :_IN], (((1,), (1,)), ((), ())),
                        preferred_element_type=_F32)
    h = h + lax.dot_general(nbar, w1[:, _IN:], (((1,), (1,)), ((), ())),
                            preferred_element_type=_F32)
    h = jnp.maximum(h + b1_ref[...], 0.0)
    w2 = w2_ref[...]
    g_ref[...] = lax.dot_general(h, w2[:, _H:], (((1,), (1,)), ((), ())),
                                 preferred_element_type=_F32)
    hd_ref[...] = lax.dot_general(h, w2[:, :_H], (((1,), (1,)), ((), ())),
                                  preferred_element_type=_F32)


def _mid_call(x, p, pc, w1, b1, w2):
    bm = 1000
    grid = _NDST0 // bm
    return pl.pallas_call(
        _mid_body,
        grid=(grid,),
        in_specs=[
            pl.BlockSpec((bm, _IN), lambda i: (i, 0)),
            pl.BlockSpec((_NC, bm, _IN), lambda i: (0, i, 0)),
            pl.BlockSpec((_NC, bm, _CW), lambda i: (0, i, 0)),
            pl.BlockSpec((_H, 2 * _IN), lambda i: (0, 0)),
            pl.BlockSpec((1, _H), lambda i: (0, 0)),
            pl.BlockSpec((_C, 2 * _H), lambda i: (0, 0)),
        ],
        out_specs=[
            pl.BlockSpec((bm, _C), lambda i: (i, 0)),
            pl.BlockSpec((bm, _C), lambda i: (i, 0)),
        ],
        out_shape=[
            jax.ShapeDtypeStruct((_NDST0, _C), _F32),
            jax.ShapeDtypeStruct((_NDST0, _C), _F32),
        ],
    )(x, p, pc, w1, b1, w2)


def _tail_body(q_ref, qc_ref, hd_ref, b2_ref, wo_ref, bo_ref, o_ref):
    sums = q_ref[0][:_NDST1] + q_ref[1][:_NDST1]
    cnt = qc_ref[0][:_NDST1, :1] + qc_ref[1][:_NDST1, :1]
    z = hd_ref[...] + sums / jnp.maximum(cnt, 1.0) + b2_ref[...]
    y = lax.dot_general(z, wo_ref[...], (((1,), (1,)), ((), ())),
                        preferred_element_type=_F32)
    y = jnp.maximum(y + bo_ref[...], 0.0)
    m = jnp.max(y, axis=1, keepdims=True)
    e = jnp.exp(y - m)
    o_ref[...] = e / jnp.sum(e, axis=1, keepdims=True)


def _tail_call(q, qc, hd, b2, wo, bo):
    return pl.pallas_call(
        _tail_body,
        out_shape=jax.ShapeDtypeStruct((_NDST1, 2), _F32),
    )(q, qc, hd, b2, wo, bo)


def _pad_idx(src, dst, nrows, kk, trash):
    npad = nrows * kk - src.shape[0]
    s = jnp.concatenate([src.astype(jnp.int32),
                         jnp.zeros((npad,), jnp.int32)])
    d = jnp.concatenate([dst.astype(jnp.int32),
                         jnp.full((npad,), trash, jnp.int32)])
    return s.reshape(nrows, kk), d.reshape(nrows, kk)


def kernel(x, src0, dst0, src1, dst1, W1, b1, W2, b2, Wo, bo):
    x = x.astype(_F32)
    s0, d0 = _pad_idx(src0, dst0, _PAD0, _K0, _A0R - 1)
    p, pc = _seg_call(x.astype(jnp.bfloat16), s0, d0, _CHA0, _CHB0, _K0, _A0R)

    gp, hd = _mid_call(x, p, pc, W1, b1.reshape(1, _H), W2)

    s1, d1 = _pad_idx(src1, dst1, _PAD1, _K1, _A1R - 1)
    q, qc = _seg_call(gp, s1, d1, _CHA1, _CHB1, _K1, _A1R)

    return _tail_call(q, qc, hd[:_NDST1], b2.reshape(1, _C), Wo,
                      bo.reshape(1, 2))

# --- scband reference (transcript-rebuilt; emitter-appended) ---
"""Pipeline reference for scband-sageconvq-13804024889767 (READ-ONLY COPY).

The authoritative reference and input builder live on the scoring server;
editing this copy changes nothing except your own understanding.
"""

import jax, jax.numpy as jnp
import numpy as np

N_SRC0, N_DST0 = 10000, 5000
N_SRC1, N_DST1 = 5000, 2500
E0, E1 = 160000, 80000
IN, H, C = 256, 256, 16


def setup_inputs(seed: int = 0) -> dict:
    key = jax.random.key(seed)
    ks = jax.random.split(key, 12)
    x = jax.random.normal(ks[0], (N_SRC0, IN), dtype=jnp.float32)
    src0 = jax.random.randint(ks[1], (E0,), 0, N_SRC0, dtype=jnp.int64 if jax.config.jax_enable_x64 else jnp.int32)
    dst0 = jax.random.randint(ks[2], (E0,), 0, N_DST0, dtype=jnp.int64 if jax.config.jax_enable_x64 else jnp.int32)
    src1 = jax.random.randint(ks[3], (E1,), 0, N_SRC1, dtype=jnp.int64 if jax.config.jax_enable_x64 else jnp.int32)
    dst1 = jax.random.randint(ks[4], (E1,), 0, N_DST1, dtype=jnp.int64 if jax.config.jax_enable_x64 else jnp.int32)
    W1 = jax.random.normal(ks[5], (H, 2 * IN), dtype=jnp.float32) * 0.02
    b1 = jnp.zeros((H,), dtype=jnp.float32)
    W2 = jax.random.normal(ks[6], (C, 2 * H), dtype=jnp.float32) * 0.02
    b2 = jnp.zeros((C,), dtype=jnp.float32)
    Wo = jax.random.normal(ks[7], (2, C), dtype=jnp.float32) * 0.02
    bo = jnp.zeros((2,), dtype=jnp.float32)
    return {"x": x, "src0": src0, "dst0": dst0, "src1": src1, "dst1": dst1,
            "W1": W1, "b1": b1, "W2": W2, "b2": b2, "Wo": Wo, "bo": bo}


def _gcn_layer(h, src, dst, n_dst, W, b):
    # DGL block semantics: dst nodes are a prefix of src nodes
    h_dst = h[:n_dst]
    # update_all(copy_u('h','m'), mean('m','h_neigh'))
    m = jnp.take(h, src, axis=0)
    sums = jax.ops.segment_sum(m, dst, num_segments=n_dst)
    cnt = jax.ops.segment_sum(jnp.ones((src.shape[0],), dtype=h.dtype), dst, num_segments=n_dst)
    h_neigh = sums / jnp.maximum(cnt, 1.0)[:, None]
    cat = jnp.concatenate([h_dst, h_neigh], axis=1)
    return cat @ W.T + b


def reference(x, src0, dst0, src1, dst1, W1, b1, W2, b2, Wo, bo):
    h = _gcn_layer(x, src0, dst0, N_DST0, W1, b1)
    h = jax.nn.relu(h)
    h = _gcn_layer(h, src1, dst1, N_DST1, W2, b2)
    h = h @ Wo.T + bo
    h = jax.nn.relu(h)
    out = jax.nn.softmax(h, axis=1)
    return out

if __name__ == "__main__":
    import jax
    _d = setup_inputs()
    print(jax.jit(kernel)(*tuple(_d.values())))

</pallas_src>

<mosaic_0001>
#map = affine_map<(d0, d1) -> (0, 0)>
#map1 = affine_map<(d0, d1) -> (0, 0, 0)>
module attributes {stable_mosaic.version = 14 : i64} {
  func.func @_seg_body(%arg0: i32, %arg1: i32, %arg2: memref<10000x256xbf16, #tpu.memory_space<hbm>>, %arg3: memref<5344x32xi32, #tpu.memory_space<hbm>>, %arg4: memref<5344x32xi32, #tpu.memory_space<hbm>>, %arg5: memref<5008x256xbf16, #tpu.memory_space<hbm>>, %arg6: memref<5040x16xf32, #tpu.memory_space<hbm>>, %arg7: memref<2x5008x256xbf16, #tpu.memory_space<hbm>>, %arg8: memref<2x5008x16xf32, #tpu.memory_space<hbm>>, %arg9: memref<272x32xi32, #tpu.memory_space<vmem>>, %arg10: memref<272x32xi32, #tpu.memory_space<vmem>>, %arg11: memref<32x256xbf16, #tpu.memory_space<vmem>>, %arg12: memref<32x256xbf16, #tpu.memory_space<vmem>>, %arg13: memref<!tpu.dma_semaphore, #tpu.memory_space<semaphore_mem>>, %arg14: memref<!tpu.dma_semaphore, #tpu.memory_space<semaphore_mem>>, %arg15: memref<32x16xf32, #tpu.memory_space<vmem>>, %arg16: memref<5008x256xbf16, #tpu.memory_space<vmem_shared>>, %arg17: memref<5008x16xf32, #tpu.memory_space<vmem_shared>>) attributes {dimension_semantics = [#tpu.dimension_semantics<core_parallel>, #tpu.dimension_semantics<subcore_parallel>], iteration_bounds = array<i64: 2, 16>, scalar_prefetch = 0 : i64, scratch_operands = 9 : i64, tpu.core_type = #tpu.core_type<sc_vector_subcore>, window_params = [{transform_indices = #map}, {transform_indices = #map}, {transform_indices = #map}, {transform_indices = #map}, {transform_indices = #map}, {transform_indices = #map1}, {transform_indices = #map1}]} {
    %eq3A = arith.constant 0 : i32
    %eq3A_0 = arith.cmpi eq, %arg0, %eq3A : i32
    %jit3A = arith.constant 272 : i32
    %jit3A_1 = arith.constant 48 : i32
    %select_n3A = arith.select %eq3A_0, %jit3A, %jit3A_1 : i32
    %eq3A_2 = arith.constant 0 : i32
    %eq3A_3 = arith.cmpi eq, %arg0, %eq3A_2 : i32
    %mul3A = arith.constant 272 : i32
    %mul3A_4 = arith.muli %arg1, %mul3A : i32
    %mul3A_5 = arith.constant 48 : i32
    %mul3A_6 = arith.muli %arg1, %mul3A_5 : i32
    %add3A = arith.constant 4352 : i32
    %add3A_7 = arith.addi %add3A, %mul3A_6 : i32
    %select_n3A_8 = arith.select %eq3A_3, %mul3A_4, %add3A_7 : i32
    %mul3A_9 = arith.constant 313 : i32
    %mul3A_10 = arith.muli %arg1, %mul3A_9 : i32
    %mul3A_11 = arith.constant 313 : i32
    %mul3A_12 = arith.muli %arg1, %mul3A_11 : i32
    "tpu.region"() ({
      %run_scoped3A = tpu.sem_alloc : memref<!tpu.dma_semaphore, #tpu.memory_space<semaphore_mem>>
      %dma_start3A_73 = arith.constant 0 : i32
      %dma_start3A_74 = tpu.memref_slice %arg16[%mul3A_12, %dma_start3A_73] : memref<5008x256xbf16, #tpu.memory_space<vmem_shared>> -> memref<313x256xbf16, #tpu.memory_space<vmem_shared>>
      %dma_start3A_75 = arith.constant 0 : i32
      %dma_start3A_76 = tpu.memref_slice %arg5[%mul3A_10, %dma_start3A_75] : memref<5008x256xbf16, #tpu.memory_space<hbm>> -> memref<313x256xbf16, #tpu.memory_space<hbm>>
      tpu.enqueue_dma source(%dma_start3A_76 : memref<313x256xbf16, #tpu.memory_space<hbm>>) target(%dma_start3A_74 : memref<313x256xbf16, #tpu.memory_space<vmem_shared>>) target_semaphore(%run_scoped3A : memref<!tpu.dma_semaphore, #tpu.memory_space<semaphore_mem>>)
      %dma_wait3A_77 = arith.constant 0 : i32
      %dma_wait3A_78 = tpu.memref_slice %arg16[%mul3A_12, %dma_wait3A_77] : memref<5008x256xbf16, #tpu.memory_space<vmem_shared>> -> memref<313x256xbf16, #tpu.memory_space<vmem_shared>>
      %dma_wait3A_79 = arith.constant 0 : i32
      %dma_wait3A_80 = tpu.memref_slice %arg5[%mul3A_10, %dma_wait3A_79] : memref<5008x256xbf16, #tpu.memory_space<hbm>> -> memref<313x256xbf16, #tpu.memory_space<hbm>>
      tpu.wait_dma2 semaphore(%run_scoped3A : memref<!tpu.dma_semaphore, #tpu.memory_space<semaphore_mem>>) src(%dma_wait3A_80 : memref<313x256xbf16, #tpu.memory_space<hbm>>) dst(%dma_wait3A_78 : memref<313x256xbf16, #tpu.memory_space<vmem_shared>>)
      tpu.yield
    }) : () -> ()
    %mul3A_13 = arith.constant 313 : i32
    %mul3A_14 = arith.muli %arg1, %mul3A_13 : i32
    %mul3A_15 = arith.constant 313 : i32
    %mul3A_16 = arith.muli %arg1, %mul3A_15 : i32
    "tpu.region"() ({
      %run_scoped3A = tpu.sem_alloc : memref<!tpu.dma_semaphore, #tpu.memory_space<semaphore_mem>>
      %dma_start3A_73 = arith.constant 0 : i32
      %dma_start3A_74 = tpu.memref_slice %arg17[%mul3A_16, %dma_start3A_73] : memref<5008x16xf32, #tpu.memory_space<vmem_shared>> -> memref<313x16xf32, #tpu.memory_space<vmem_shared>>
      %dma_start3A_75 = arith.constant 0 : i32
      %dma_start3A_76 = tpu.memref_slice %arg6[%mul3A_14, %dma_start3A_75] : memref<5040x16xf32, #tpu.memory_space<hbm>> -> memref<313x16xf32, #tpu.memory_space<hbm>>
      tpu.enqueue_dma source(%dma_start3A_76 : memref<313x16xf32, #tpu.memory_space<hbm>>) target(%dma_start3A_74 : memref<313x16xf32, #tpu.memory_space<vmem_shared>>) target_semaphore(%run_scoped3A : memref<!tpu.dma_semaphore, #tpu.memory_space<semaphore_mem>>)
      %dma_wait3A_77 = arith.constant 0 : i32
      %dma_wait3A_78 = tpu.memref_slice %arg17[%mul3A_16, %dma_wait3A_77] : memref<5008x16xf32, #tpu.memory_space<vmem_shared>> -> memref<313x16xf32, #tpu.memory_space<vmem_shared>>
      %dma_wait3A_79 = arith.constant 0 : i32
      %dma_wait3A_80 = tpu.memref_slice %arg6[%mul3A_14, %dma_wait3A_79] : memref<5040x16xf32, #tpu.memory_space<hbm>> -> memref<313x16xf32, #tpu.memory_space<hbm>>
      tpu.wait_dma2 semaphore(%run_scoped3A : memref<!tpu.dma_semaphore, #tpu.memory_space<semaphore_mem>>) src(%dma_wait3A_80 : memref<313x16xf32, #tpu.memory_space<hbm>>) dst(%dma_wait3A_78 : memref<313x16xf32, #tpu.memory_space<vmem_shared>>)
      tpu.yield
    }) : () -> ()
    "tpu.region"() ({
      %run_scoped3A = tpu.sem_alloc : memref<!tpu.dma_semaphore, #tpu.memory_space<semaphore_mem>>
      %dma_start3A_73 = arith.constant 5008 : i32
      %dma_start3A_74 = arith.constant 0 : i32
      %dma_start3A_75 = tpu.memref_slice %arg6[%dma_start3A_73, %dma_start3A_74] : memref<5040x16xf32, #tpu.memory_space<hbm>> -> memref<32x16xf32, #tpu.memory_space<hbm>>
      %dma_start3A_76 = arith.constant 5008 : i32
      %dma_start3A_77 = arith.constant 0 : i32
      %dma_start3A_78 = tpu.memref_slice %arg6[%dma_start3A_76, %dma_start3A_77] : memref<5040x16xf32, #tpu.memory_space<hbm>> -> memref<32x16xf32, #tpu.memory_space<hbm>>
      tpu.enqueue_dma source(%dma_start3A_78 : memref<32x16xf32, #tpu.memory_space<hbm>>) target(%arg15 : memref<32x16xf32, #tpu.memory_space<vmem>>) target_semaphore(%run_scoped3A : memref<!tpu.dma_semaphore, #tpu.memory_space<semaphore_mem>>)
      %dma_wait3A_79 = arith.constant 5008 : i32
      %dma_wait3A_80 = arith.constant 0 : i32
      %dma_wait3A_81 = tpu.memref_slice %arg6[%dma_wait3A_79, %dma_wait3A_80] : memref<5040x16xf32, #tpu.memory_space<hbm>> -> memref<32x16xf32, #tpu.memory_space<hbm>>
      %dma_wait3A_82 = arith.constant 5008 : i32
      %dma_wait3A_83 = arith.constant 0 : i32
      %dma_wait3A_84 = tpu.memref_slice %arg6[%dma_wait3A_82, %dma_wait3A_83] : memref<5040x16xf32, #tpu.memory_space<hbm>> -> memref<32x16xf32, #tpu.memory_space<hbm>>
      tpu.wait_dma2 semaphore(%run_scoped3A : memref<!tpu.dma_semaphore, #tpu.memory_space<semaphore_mem>>) src(%dma_wait3A_84 : memref<32x16xf32, #tpu.memory_space<hbm>>) dst(%arg15 : memref<32x16xf32, #tpu.memory_space<vmem>>)
      tpu.yield
    }) : () -> ()
    "tpu.region"() ({
      %run_scoped3A = tpu.sem_alloc : memref<!tpu.dma_semaphore, #tpu.memory_space<semaphore_mem>>
      %dma_start3A_73 = arith.constant 0 : i32
      %dma_start3A_74 = tpu.memref_slice %arg3[%select_n3A_8, %dma_start3A_73] : memref<5344x32xi32, #tpu.memory_space<hbm>> -> memref<272x32xi32, #tpu.memory_space<hbm>>
      %dma_start3A_75 = arith.constant 0 : i32
      %dma_start3A_76 = tpu.memref_slice %arg3[%select_n3A_8, %dma_start3A_75] : memref<5344x32xi32, #tpu.memory_space<hbm>> -> memref<272x32xi32, #tpu.memory_space<hbm>>
      tpu.enqueue_dma source(%dma_start3A_76 : memref<272x32xi32, #tpu.memory_space<hbm>>) target(%arg9 : memref<272x32xi32, #tpu.memory_space<vmem>>) target_semaphore(%run_scoped3A : memref<!tpu.dma_semaphore, #tpu.memory_space<semaphore_mem>>)
      %dma_wait3A_77 = arith.constant 0 : i32
      %dma_wait3A_78 = tpu.memref_slice %arg3[%select_n3A_8, %dma_wait3A_77] : memref<5344x32xi32, #tpu.memory_space<hbm>> -> memref<272x32xi32, #tpu.memory_space<hbm>>
      %dma_wait3A_79 = arith.constant 0 : i32
      %dma_wait3A_80 = tpu.memref_slice %arg3[%select_n3A_8, %dma_wait3A_79] : memref<5344x32xi32, #tpu.memory_space<hbm>> -> memref<272x32xi32, #tpu.memory_space<hbm>>
      tpu.wait_dma2 semaphore(%run_scoped3A : memref<!tpu.dma_semaphore, #tpu.memory_space<semaphore_mem>>) src(%dma_wait3A_80 : memref<272x32xi32, #tpu.memory_space<hbm>>) dst(%arg9 : memref<272x32xi32, #tpu.memory_space<vmem>>)
      tpu.yield
    }) : () -> ()
    "tpu.region"() ({
      %run_scoped3A = tpu.sem_alloc : memref<!tpu.dma_semaphore, #tpu.memory_space<semaphore_mem>>
      %dma_start3A_73 = arith.constant 0 : i32
      %dma_start3A_74 = tpu.memref_slice %arg4[%select_n3A_8, %dma_start3A_73] : memref<5344x32xi32, #tpu.memory_space<hbm>> -> memref<272x32xi32, #tpu.memory_space<hbm>>
      %dma_start3A_75 = arith.constant 0 : i32
      %dma_start3A_76 = tpu.memref_slice %arg4[%select_n3A_8, %dma_start3A_75] : memref<5344x32xi32, #tpu.memory_space<hbm>> -> memref<272x32xi32, #tpu.memory_space<hbm>>
      tpu.enqueue_dma source(%dma_start3A_76 : memref<272x32xi32, #tpu.memory_space<hbm>>) target(%arg10 : memref<272x32xi32, #tpu.memory_space<vmem>>) target_semaphore(%run_scoped3A : memref<!tpu.dma_semaphore, #tpu.memory_space<semaphore_mem>>)
      %dma_wait3A_77 = arith.constant 0 : i32
      %dma_wait3A_78 = tpu.memref_slice %arg4[%select_n3A_8, %dma_wait3A_77] : memref<5344x32xi32, #tpu.memory_space<hbm>> -> memref<272x32xi32, #tpu.memory_space<hbm>>
      %dma_wait3A_79 = arith.constant 0 : i32
      %dma_wait3A_80 = tpu.memref_slice %arg4[%select_n3A_8, %dma_wait3A_79] : memref<5344x32xi32, #tpu.memory_space<hbm>> -> memref<272x32xi32, #tpu.memory_space<hbm>>
      tpu.wait_dma2 semaphore(%run_scoped3A : memref<!tpu.dma_semaphore, #tpu.memory_space<semaphore_mem>>) src(%dma_wait3A_80 : memref<272x32xi32, #tpu.memory_space<hbm>>) dst(%arg10 : memref<272x32xi32, #tpu.memory_space<vmem>>)
      tpu.yield
    }) : () -> ()
    %barrier3A = arith.constant 0 : index
    tpu.barrier barrier_id(%barrier3A)
    %dma_start3A = arith.constant 0 : i32
    %dma_start3A_17 = arith.constant 0 : i32
    %dma_start3A_18 = tpu.memref_slice %arg9[%dma_start3A, %dma_start3A_17] : memref<272x32xi32, #tpu.memory_space<vmem>> -> memref<1x32xi32, #tpu.memory_space<vmem>>
    %dma_start3A_19 = tpu.memref_squeeze %dma_start3A_18 : memref<1x32xi32, #tpu.memory_space<vmem>> -> memref<32xi32, #tpu.memory_space<vmem>>
    %dma_start3A_20 = arith.constant 0 : i32
    %dma_start3A_21 = arith.constant 0 : i32
    %dma_start3A_22 = tpu.memref_slice %arg2[%dma_start3A_20, %dma_start3A_21] : memref<10000x256xbf16, #tpu.memory_space<hbm>> -> memref<10000x256xbf16, #tpu.memory_space<hbm>>
    tpu.enqueue_indirect_dma source(%dma_start3A_22 : memref<10000x256xbf16, #tpu.memory_space<hbm>>) target(%arg11 : memref<32x256xbf16, #tpu.memory_space<vmem>>) offsets(%dma_start3A_19 : memref<32xi32, #tpu.memory_space<vmem>>) semaphore(%arg13 : memref<!tpu.dma_semaphore, #tpu.memory_space<semaphore_mem>>)
    %sub3A = arith.constant 2 : i32
    %sub3A_23 = arith.subi %select_n3A, %sub3A : i32
    %sub3A_24 = arith.constant 0 : i32
    %sub3A_25 = arith.subi %sub3A_23, %sub3A_24 : i32
    %sub3A_26 = arith.constant 2 : i32
    %sub3A_27 = arith.constant 1 : i32
    %sub3A_28 = arith.subi %sub3A_26, %sub3A_27 : i32
    %add3A_29 = arith.addi %sub3A_25, %sub3A_28 : i32
    %div3A = arith.constant 2 : i32
    %div3A_30 = arith.divsi %add3A_29, %div3A : i32
    %while3A = arith.constant 2 : i32
    %while3A_31 = arith.constant 0 : i32
    %while3A_32 = arith.constant 0 : i32
    %while3A_33 = arith.subi %div3A_30, %while3A_32 : i32
    %while3A_34 = arith.addi %while3A_32, %while3A_33 : i32
    %while3A_35 = arith.constant 1 : i32
    %while3A_36 = arith.divsi %while3A_33, %while3A_35 : i32
    %while3A_37 = arith.muli %while3A_36, %while3A_35 : i32
    %while3A_38 = arith.addi %while3A_32, %while3A_37 : i32
    %while3A_39 = arith.constant 1 : i32
    scf.for %while3A_73 = %while3A_32 to %while3A_38 step %while3A_39  : i32 {
      %mul3A_74 = arith.muli %while3A_73, %while3A : i32
      %add3A_75 = arith.addi %while3A_31, %mul3A_74 : i32
      %add3A_76 = arith.constant 1 : i32
      %add3A_77 = arith.addi %add3A_75, %add3A_76 : i32
      %dma_start3A_78 = arith.constant 0 : i32
      %dma_start3A_79 = tpu.memref_slice %arg9[%add3A_77, %dma_start3A_78] : memref<272x32xi32, #tpu.memory_space<vmem>> -> memref<1x32xi32, #tpu.memory_space<vmem>>
      %dma_start3A_80 = tpu.memref_squeeze %dma_start3A_79 : memref<1x32xi32, #tpu.memory_space<vmem>> -> memref<32xi32, #tpu.memory_space<vmem>>
      %dma_start3A_81 = arith.constant 0 : i32
      %dma_start3A_82 = arith.constant 0 : i32
      %dma_start3A_83 = tpu.memref_slice %arg2[%dma_start3A_81, %dma_start3A_82] : memref<10000x256xbf16, #tpu.memory_space<hbm>> -> memref<10000x256xbf16, #tpu.memory_space<hbm>>
      tpu.enqueue_indirect_dma source(%dma_start3A_83 : memref<10000x256xbf16, #tpu.memory_space<hbm>>) target(%arg12 : memref<32x256xbf16, #tpu.memory_space<vmem>>) offsets(%dma_start3A_80 : memref<32xi32, #tpu.memory_space<vmem>>) semaphore(%arg14 : memref<!tpu.dma_semaphore, #tpu.memory_space<semaphore_mem>>)
      %dma_wait3A_84 = arith.constant 0 : i32
      %dma_wait3A_85 = arith.constant 0 : i32
      %dma_wait3A_86 = tpu.memref_slice %arg2[%dma_wait3A_84, %dma_wait3A_85] : memref<10000x256xbf16, #tpu.memory_space<hbm>> -> memref<32x256xbf16, #tpu.memory_space<hbm>>
      %dma_wait3A_87 = arith.constant 0 : i32
      %dma_wait3A_88 = arith.constant 0 : i32
      %dma_wait3A_89 = tpu.memref_slice %arg2[%dma_wait3A_87, %dma_wait3A_88] : memref<10000x256xbf16, #tpu.memory_space<hbm>> -> memref<32x256xbf16, #tpu.memory_space<hbm>>
      tpu.wait_dma2 semaphore(%arg13 : memref<!tpu.dma_semaphore, #tpu.memory_space<semaphore_mem>>) src(%dma_wait3A_89 : memref<32x256xbf16, #tpu.memory_space<hbm>>) dst(%arg11 : memref<32x256xbf16, #tpu.memory_space<vmem>>)
      "tpu.region"() ({
        %run_scoped3A = tpu.sem_alloc : memref<!tpu.dma_semaphore, #tpu.memory_space<semaphore_mem>>
        %dma_start3A_106 = arith.constant 0 : i32
        %dma_start3A_107 = tpu.memref_slice %arg10[%add3A_75, %dma_start3A_106] : memref<272x32xi32, #tpu.memory_space<vmem>> -> memref<1x32xi32, #tpu.memory_space<vmem>>
        %dma_start3A_108 = tpu.memref_squeeze %dma_start3A_107 : memref<1x32xi32, #tpu.memory_space<vmem>> -> memref<32xi32, #tpu.memory_space<vmem>>
        %dma_start3A_109 = arith.constant 0 : i32
        %dma_start3A_110 = arith.constant 0 : i32
        %dma_start3A_111 = tpu.memref_slice %arg16[%dma_start3A_109, %dma_start3A_110] : memref<5008x256xbf16, #tpu.memory_space<vmem_shared>> -> memref<5008x256xbf16, #tpu.memory_space<vmem_shared>>
        tpu.enqueue_indirect_dma source(%arg11 : memref<32x256xbf16, #tpu.memory_space<vmem>>) target(%dma_start3A_111 : memref<5008x256xbf16, #tpu.memory_space<vmem_shared>>) offsets(%dma_start3A_108 : memref<32xi32, #tpu.memory_space<vmem>>) semaphore(%run_scoped3A : memref<!tpu.dma_semaphore, #tpu.memory_space<semaphore_mem>>) {add = true}
        %dma_wait3A_112 = arith.constant 0 : i32
        %dma_wait3A_113 = tpu.memref_slice %arg10[%add3A_75, %dma_wait3A_112] : memref<272x32xi32, #tpu.memory_space<vmem>> -> memref<1x32xi32, #tpu.memory_space<vmem>>
        %dma_wait3A_114 = tpu.memref_squeeze %dma_wait3A_113 : memref<1x32xi32, #tpu.memory_space<vmem>> -> memref<32xi32, #tpu.memory_space<vmem>>
        %dma_wait3A_115 = arith.constant 0 : i32
        %dma_wait3A_116 = arith.constant 0 : i32
        %dma_wait3A_117 = tpu.memref_slice %arg16[%dma_wait3A_115, %dma_wait3A_116] : memref<5008x256xbf16, #tpu.memory_space<vmem_shared>> -> memref<5008x256xbf16, #tpu.memory_space<vmem_shared>>
        tpu.wait_indirect_dma semaphore(%run_scoped3A : memref<!tpu.dma_semaphore, #tpu.memory_space<semaphore_mem>>) src(%arg11 : memref<32x256xbf16, #tpu.memory_space<vmem>>) dst(%dma_wait3A_117 : memref<5008x256xbf16, #tpu.memory_space<vmem_shared>>)
        tpu.yield
      }) : () -> ()
      "tpu.region"() ({
        %run_scoped3A = tpu.sem_alloc : memref<!tpu.dma_semaphore, #tpu.memory_space<semaphore_mem>>
        %dma_start3A_106 = arith.constant 0 : i32
        %dma_start3A_107 = tpu.memref_slice %arg10[%add3A_75, %dma_start3A_106] : memref<272x32xi32, #tpu.memory_space<vmem>> -> memref<1x32xi32, #tpu.memory_space<vmem>>
        %dma_start3A_108 = tpu.memref_squeeze %dma_start3A_107 : memref<1x32xi32, #tpu.memory_space<vmem>> -> memref<32xi32, #tpu.memory_space<vmem>>
        %dma_start3A_109 = arith.constant 0 : i32
        %dma_start3A_110 = arith.constant 0 : i32
        %dma_start3A_111 = tpu.memref_slice %arg17[%dma_start3A_109, %dma_start3A_110] : memref<5008x16xf32, #tpu.memory_space<vmem_shared>> -> memref<5008x16xf32, #tpu.memory_space<vmem_shared>>
        tpu.enqueue_indirect_dma source(%arg15 : memref<32x16xf32, #tpu.memory_space<vmem>>) target(%dma_start3A_111 : memref<5008x16xf32, #tpu.memory_space<vmem_shared>>) offsets(%dma_start3A_108 : memref<32xi32, #tpu.memory_space<vmem>>) semaphore(%run_scoped3A : memref<!tpu.dma_semaphore, #tpu.memory_space<semaphore_mem>>) {add = true}
        %dma_wait3A_112 = arith.constant 0 : i32
        %dma_wait3A_113 = tpu.memref_slice %arg10[%add3A_75, %dma_wait3A_112] : memref<272x32xi32, #tpu.memory_space<vmem>> -> memref<1x32xi32, #tpu.memory_space<vmem>>
        %dma_wait3A_114 = tpu.memref_squeeze %dma_wait3A_113 : memref<1x32xi32, #tpu.memory_space<vmem>> -> memref<32xi32, #tpu.memory_space<vmem>>
        %dma_wait3A_115 = arith.constant 0 : i32
        %dma_wait3A_116 = arith.constant 0 : i32
        %dma_wait3A_117 = tpu.memref_slice %arg17[%dma_wait3A_115, %dma_wait3A_116] : memref<5008x16xf32, #tpu.memory_space<vmem_shared>> -> memref<5008x16xf32, #tpu.memory_space<vmem_shared>>
        tpu.wait_indirect_dma semaphore(%run_scoped3A : memref<!tpu.dma_semaphore, #tpu.memory_space<semaphore_mem>>) src(%arg15 : memref<32x16xf32, #tpu.memory_space<vmem>>) dst(%dma_wait3A_117 : memref<5008x16xf32, #tpu.memory_space<vmem_shared>>)
        tpu.yield
      }) : () -> ()
      %add3A_90 = arith.constant 2 : i32
      %add3A_91 = arith.addi %add3A_75, %add3A_90 : i32
      %dma_start3A_92 = arith.constant 0 : i32
      %dma_start3A_93 = tpu.memref_slice %arg9[%add3A_91, %dma_start3A_92] : memref<272x32xi32, #tpu.memory_space<vmem>> -> memref<1x32xi32, #tpu.memory_space<vmem>>
      %dma_start3A_94 = tpu.memref_squeeze %dma_start3A_93 : memref<1x32xi32, #tpu.memory_space<vmem>> -> memref<32xi32, #tpu.memory_space<vmem>>
      %dma_start3A_95 = arith.constant 0 : i32
      %dma_start3A_96 = arith.constant 0 : i32
      %dma_start3A_97 = tpu.memref_slice %arg2[%dma_start3A_95, %dma_start3A_96] : memref<10000x256xbf16, #tpu.memory_space<hbm>> -> memref<10000x256xbf16, #tpu.memory_space<hbm>>
      tpu.enqueue_indirect_dma source(%dma_start3A_97 : memref<10000x256xbf16, #tpu.memory_space<hbm>>) target(%arg11 : memref<32x256xbf16, #tpu.memory_space<vmem>>) offsets(%dma_start3A_94 : memref<32xi32, #tpu.memory_space<vmem>>) semaphore(%arg13 : memref<!tpu.dma_semaphore, #tpu.memory_space<semaphore_mem>>)
      %dma_wait3A_98 = arith.constant 0 : i32
      %dma_wait3A_99 = arith.constant 0 : i32
      %dma_wait3A_100 = tpu.memref_slice %arg2[%dma_wait3A_98, %dma_wait3A_99] : memref<10000x256xbf16, #tpu.memory_space<hbm>> -> memref<32x256xbf16, #tpu.memory_space<hbm>>
      %dma_wait3A_101 = arith.constant 0 : i32
      %dma_wait3A_102 = arith.constant 0 : i32
      %dma_wait3A_103 = tpu.memref_slice %arg2[%dma_wait3A_101, %dma_wait3A_102] : memref<10000x256xbf16, #tpu.memory_space<hbm>> -> memref<32x256xbf16, #tpu.memory_space<hbm>>
      tpu.wait_dma2 semaphore(%arg14 : memref<!tpu.dma_semaphore, #tpu.memory_space<semaphore_mem>>) src(%dma_wait3A_103 : memref<32x256xbf16, #tpu.memory_space<hbm>>) dst(%arg12 : memref<32x256xbf16, #tpu.memory_space<vmem>>)
      %add3A_104 = arith.constant 1 : i32
      %add3A_105 = arith.addi %add3A_75, %add3A_104 : i32
      "tpu.region"() ({
        %run_scoped3A = tpu.sem_alloc : memref<!tpu.dma_semaphore, #tpu.memory_space<semaphore_mem>>
        %dma_start3A_106 = arith.constant 0 : i32
        %dma_start3A_107 = tpu.memref_slice %arg10[%add3A_105, %dma_start3A_106] : memref<272x32xi32, #tpu.memory_space<vmem>> -> memref<1x32xi32, #tpu.memory_space<vmem>>
        %dma_start3A_108 = tpu.memref_squeeze %dma_start3A_107 : memref<1x32xi32, #tpu.memory_space<vmem>> -> memref<32xi32, #tpu.memory_space<vmem>>
        %dma_start3A_109 = arith.constant 0 : i32
        %dma_start3A_110 = arith.constant 0 : i32
        %dma_start3A_111 = tpu.memref_slice %arg16[%dma_start3A_109, %dma_start3A_110] : memref<5008x256xbf16, #tpu.memory_space<vmem_shared>> -> memref<5008x256xbf16, #tpu.memory_space<vmem_shared>>
        tpu.enqueue_indirect_dma source(%arg12 : memref<32x256xbf16, #tpu.memory_space<vmem>>) target(%dma_start3A_111 : memref<5008x256xbf16, #tpu.memory_space<vmem_shared>>) offsets(%dma_start3A_108 : memref<32xi32, #tpu.memory_space<vmem>>) semaphore(%run_scoped3A : memref<!tpu.dma_semaphore, #tpu.memory_space<semaphore_mem>>) {add = true}
        %dma_wait3A_112 = arith.constant 0 : i32
        %dma_wait3A_113 = tpu.memref_slice %arg10[%add3A_105, %dma_wait3A_112] : memref<272x32xi32, #tpu.memory_space<vmem>> -> memref<1x32xi32, #tpu.memory_space<vmem>>
        %dma_wait3A_114 = tpu.memref_squeeze %dma_wait3A_113 : memref<1x32xi32, #tpu.memory_space<vmem>> -> memref<32xi32, #tpu.memory_space<vmem>>
        %dma_wait3A_115 = arith.constant 0 : i32
        %dma_wait3A_116 = arith.constant 0 : i32
        %dma_wait3A_117 = tpu.memref_slice %arg16[%dma_wait3A_115, %dma_wait3A_116] : memref<5008x256xbf16, #tpu.memory_space<vmem_shared>> -> memref<5008x256xbf16, #tpu.memory_space<vmem_shared>>
        tpu.wait_indirect_dma semaphore(%run_scoped3A : memref<!tpu.dma_semaphore, #tpu.memory_space<semaphore_mem>>) src(%arg12 : memref<32x256xbf16, #tpu.memory_space<vmem>>) dst(%dma_wait3A_117 : memref<5008x256xbf16, #tpu.memory_space<vmem_shared>>)
        tpu.yield
      }) : () -> ()
      "tpu.region"() ({
        %run_scoped3A = tpu.sem_alloc : memref<!tpu.dma_semaphore, #tpu.memory_space<semaphore_mem>>
        %dma_start3A_106 = arith.constant 0 : i32
        %dma_start3A_107 = tpu.memref_slice %arg10[%add3A_105, %dma_start3A_106] : memref<272x32xi32, #tpu.memory_space<vmem>> -> memref<1x32xi32, #tpu.memory_space<vmem>>
        %dma_start3A_108 = tpu.memref_squeeze %dma_start3A_107 : memref<1x32xi32, #tpu.memory_space<vmem>> -> memref<32xi32, #tpu.memory_space<vmem>>
        %dma_start3A_109 = arith.constant 0 : i32
        %dma_start3A_110 = arith.constant 0 : i32
        %dma_start3A_111 = tpu.memref_slice %arg17[%dma_start3A_109, %dma_start3A_110] : memref<5008x16xf32, #tpu.memory_space<vmem_shared>> -> memref<5008x16xf32, #tpu.memory_space<vmem_shared>>
        tpu.enqueue_indirect_dma source(%arg15 : memref<32x16xf32, #tpu.memory_space<vmem>>) target(%dma_start3A_111 : memref<5008x16xf32, #tpu.memory_space<vmem_shared>>) offsets(%dma_start3A_108 : memref<32xi32, #tpu.memory_space<vmem>>) semaphore(%run_scoped3A : memref<!tpu.dma_semaphore, #tpu.memory_space<semaphore_mem>>) {add = true}
        %dma_wait3A_112 = arith.constant 0 : i32
        %dma_wait3A_113 = tpu.memref_slice %arg10[%add3A_105, %dma_wait3A_112] : memref<272x32xi32, #tpu.memory_space<vmem>> -> memref<1x32xi32, #tpu.memory_space<vmem>>
        %dma_wait3A_114 = tpu.memref_squeeze %dma_wait3A_113 : memref<1x32xi32, #tpu.memory_space<vmem>> -> memref<32xi32, #tpu.memory_space<vmem>>
        %dma_wait3A_115 = arith.constant 0 : i32
        %dma_wait3A_116 = arith.constant 0 : i32
        %dma_wait3A_117 = tpu.memref_slice %arg17[%dma_wait3A_115, %dma_wait3A_116] : memref<5008x16xf32, #tpu.memory_space<vmem_shared>> -> memref<5008x16xf32, #tpu.memory_space<vmem_shared>>
        tpu.wait_indirect_dma semaphore(%run_scoped3A : memref<!tpu.dma_semaphore, #tpu.memory_space<semaphore_mem>>) src(%arg15 : memref<32x16xf32, #tpu.memory_space<vmem>>) dst(%dma_wait3A_117 : memref<5008x16xf32, #tpu.memory_space<vmem_shared>>)
        tpu.yield
      }) : () -> ()
    }
    %while3A_40 = arith.constant 1 : i32
    scf.for %while3A_73 = %while3A_38 to %while3A_34 step %while3A_40  : i32 {
      %mul3A_74 = arith.muli %while3A_73, %while3A : i32
      %add3A_75 = arith.addi %while3A_31, %mul3A_74 : i32
      %add3A_76 = arith.constant 1 : i32
      %add3A_77 = arith.addi %add3A_75, %add3A_76 : i32
      %dma_start3A_78 = arith.constant 0 : i32
      %dma_start3A_79 = tpu.memref_slice %arg9[%add3A_77, %dma_start3A_78] : memref<272x32xi32, #tpu.memory_space<vmem>> -> memref<1x32xi32, #tpu.memory_space<vmem>>
      %dma_start3A_80 = tpu.memref_squeeze %dma_start3A_79 : memref<1x32xi32, #tpu.memory_space<vmem>> -> memref<32xi32, #tpu.memory_space<vmem>>
      %dma_start3A_81 = arith.constant 0 : i32
      %dma_start3A_82 = arith.constant 0 : i32
      %dma_start3A_83 = tpu.memref_slice %arg2[%dma_start3A_81, %dma_start3A_82] : memref<10000x256xbf16, #tpu.memory_space<hbm>> -> memref<10000x256xbf16, #tpu.memory_space<hbm>>
      tpu.enqueue_indirect_dma source(%dma_start3A_83 : memref<10000x256xbf16, #tpu.memory_space<hbm>>) target(%arg12 : memref<32x256xbf16, #tpu.memory_space<vmem>>) offsets(%dma_start3A_80 : memref<32xi32, #tpu.memory_space<vmem>>) semaphore(%arg14 : memref<!tpu.dma_semaphore, #tpu.memory_space<semaphore_mem>>)
      %dma_wait3A_84 = arith.constant 0 : i32
      %dma_wait3A_85 = arith.constant 0 : i32
      %dma_wait3A_86 = tpu.memref_slice %arg2[%dma_wait3A_84, %dma_wait3A_85] : memref<10000x256xbf16, #tpu.memory_space<hbm>> -> memref<32x256xbf16, #tpu.memory_space<hbm>>
      %dma_wait3A_87 = arith.constant 0 : i32
      %dma_wait3A_88 = arith.constant 0 : i32
      %dma_wait3A_89 = tpu.memref_slice %arg2[%dma_wait3A_87, %dma_wait3A_88] : memref<10000x256xbf16, #tpu.memory_space<hbm>> -> memref<32x256xbf16, #tpu.memory_space<hbm>>
      tpu.wait_dma2 semaphore(%arg13 : memref<!tpu.dma_semaphore, #tpu.memory_space<semaphore_mem>>) src(%dma_wait3A_89 : memref<32x256xbf16, #tpu.memory_space<hbm>>) dst(%arg11 : memref<32x256xbf16, #tpu.memory_space<vmem>>)
      "tpu.region"() ({
        %run_scoped3A = tpu.sem_alloc : memref<!tpu.dma_semaphore, #tpu.memory_space<semaphore_mem>>
        %dma_start3A_106 = arith.constant 0 : i32
        %dma_start3A_107 = tpu.memref_slice %arg10[%add3A_75, %dma_start3A_106] : memref<272x32xi32, #tpu.memory_space<vmem>> -> memref<1x32xi32, #tpu.memory_space<vmem>>
        %dma_start3A_108 = tpu.memref_squeeze %dma_start3A_107 : memref<1x32xi32, #tpu.memory_space<vmem>> -> memref<32xi32, #tpu.memory_space<vmem>>
        %dma_start3A_109 = arith.constant 0 : i32
        %dma_start3A_110 = arith.constant 0 : i32
        %dma_start3A_111 = tpu.memref_slice %arg16[%dma_start3A_109, %dma_start3A_110] : memref<5008x256xbf16, #tpu.memory_space<vmem_shared>> -> memref<5008x256xbf16, #tpu.memory_space<vmem_shared>>
        tpu.enqueue_indirect_dma source(%arg11 : memref<32x256xbf16, #tpu.memory_space<vmem>>) target(%dma_start3A_111 : memref<5008x256xbf16, #tpu.memory_space<vmem_shared>>) offsets(%dma_start3A_108 : memref<32xi32, #tpu.memory_space<vmem>>) semaphore(%run_scoped3A : memref<!tpu.dma_semaphore, #tpu.memory_space<semaphore_mem>>) {add = true}
        %dma_wait3A_112 = arith.constant 0 : i32
        %dma_wait3A_113 = tpu.memref_slice %arg10[%add3A_75, %dma_wait3A_112] : memref<272x32xi32, #tpu.memory_space<vmem>> -> memref<1x32xi32, #tpu.memory_space<vmem>>
        %dma_wait3A_114 = tpu.memref_squeeze %dma_wait3A_113 : memref<1x32xi32, #tpu.memory_space<vmem>> -> memref<32xi32, #tpu.memory_space<vmem>>
        %dma_wait3A_115 = arith.constant 0 : i32
        %dma_wait3A_116 = arith.constant 0 : i32
        %dma_wait3A_117 = tpu.memref_slice %arg16[%dma_wait3A_115, %dma_wait3A_116] : memref<5008x256xbf16, #tpu.memory_space<vmem_shared>> -> memref<5008x256xbf16, #tpu.memory_space<vmem_shared>>
        tpu.wait_indirect_dma semaphore(%run_scoped3A : memref<!tpu.dma_semaphore, #tpu.memory_space<semaphore_mem>>) src(%arg11 : memref<32x256xbf16, #tpu.memory_space<vmem>>) dst(%dma_wait3A_117 : memref<5008x256xbf16, #tpu.memory_space<vmem_shared>>)
        tpu.yield
      }) : () -> ()
      "tpu.region"() ({
        %run_scoped3A = tpu.sem_alloc : memref<!tpu.dma_semaphore, #tpu.memory_space<semaphore_mem>>
        %dma_start3A_106 = arith.constant 0 : i32
        %dma_start3A_107 = tpu.memref_slice %arg10[%add3A_75, %dma_start3A_106] : memref<272x32xi32, #tpu.memory_space<vmem>> -> memref<1x32xi32, #tpu.memory_space<vmem>>
        %dma_start3A_108 = tpu.memref_squeeze %dma_start3A_107 : memref<1x32xi32, #tpu.memory_space<vmem>> -> memref<32xi32, #tpu.memory_space<vmem>>
        %dma_start3A_109 = arith.constant 0 : i32
        %dma_start3A_110 = arith.constant 0 : i32
        %dma_start3A_111 = tpu.memref_slice %arg17[%dma_start3A_109, %dma_start3A_110] : memref<5008x16xf32, #tpu.memory_space<vmem_shared>> -> memref<5008x16xf32, #tpu.memory_space<vmem_shared>>
        tpu.enqueue_indirect_dma source(%arg15 : memref<32x16xf32, #tpu.memory_space<vmem>>) target(%dma_start3A_111 : memref<5008x16xf32, #tpu.memory_space<vmem_shared>>) offsets(%dma_start3A_108 : memref<32xi32, #tpu.memory_space<vmem>>) semaphore(%run_scoped3A : memref<!tpu.dma_semaphore, #tpu.memory_space<semaphore_mem>>) {add = true}
        %dma_wait3A_112 = arith.constant 0 : i32
        %dma_wait3A_113 = tpu.memref_slice %arg10[%add3A_75, %dma_wait3A_112] : memref<272x32xi32, #tpu.memory_space<vmem>> -> memref<1x32xi32, #tpu.memory_space<vmem>>
        %dma_wait3A_114 = tpu.memref_squeeze %dma_wait3A_113 : memref<1x32xi32, #tpu.memory_space<vmem>> -> memref<32xi32, #tpu.memory_space<vmem>>
        %dma_wait3A_115 = arith.constant 0 : i32
        %dma_wait3A_116 = arith.constant 0 : i32
        %dma_wait3A_117 = tpu.memref_slice %arg17[%dma_wait3A_115, %dma_wait3A_116] : memref<5008x16xf32, #tpu.memory_space<vmem_shared>> -> memref<5008x16xf32, #tpu.memory_space<vmem_shared>>
        tpu.wait_indirect_dma semaphore(%run_scoped3A : memref<!tpu.dma_semaphore, #tpu.memory_space<semaphore_mem>>) src(%arg15 : memref<32x16xf32, #tpu.memory_space<vmem>>) dst(%dma_wait3A_117 : memref<5008x16xf32, #tpu.memory_space<vmem_shared>>)
        tpu.yield
      }) : () -> ()
      %add3A_90 = arith.constant 2 : i32
      %add3A_91 = arith.addi %add3A_75, %add3A_90 : i32
      %dma_start3A_92 = arith.constant 0 : i32
      %dma_start3A_93 = tpu.memref_slice %arg9[%add3A_91, %dma_start3A_92] : memref<272x32xi32, #tpu.memory_space<vmem>> -> memref<1x32xi32, #tpu.memory_space<vmem>>
      %dma_start3A_94 = tpu.memref_squeeze %dma_start3A_93 : memref<1x32xi32, #tpu.memory_space<vmem>> -> memref<32xi32, #tpu.memory_space<vmem>>
      %dma_start3A_95 = arith.constant 0 : i32
      %dma_start3A_96 = arith.constant 0 : i32
      %dma_start3A_97 = tpu.memref_slice %arg2[%dma_start3A_95, %dma_start3A_96] : memref<10000x256xbf16, #tpu.memory_space<hbm>> -> memref<10000x256xbf16, #tpu.memory_space<hbm>>
      tpu.enqueue_indirect_dma source(%dma_start3A_97 : memref<10000x256xbf16, #tpu.memory_space<hbm>>) target(%arg11 : memref<32x256xbf16, #tpu.memory_space<vmem>>) offsets(%dma_start3A_94 : memref<32xi32, #tpu.memory_space<vmem>>) semaphore(%arg13 : memref<!tpu.dma_semaphore, #tpu.memory_space<semaphore_mem>>)
      %dma_wait3A_98 = arith.constant 0 : i32
      %dma_wait3A_99 = arith.constant 0 : i32
      %dma_wait3A_100 = tpu.memref_slice %arg2[%dma_wait3A_98, %dma_wait3A_99] : memref<10000x256xbf16, #tpu.memory_space<hbm>> -> memref<32x256xbf16, #tpu.memory_space<hbm>>
      %dma_wait3A_101 = arith.constant 0 : i32
      %dma_wait3A_102 = arith.constant 0 : i32
      %dma_wait3A_103 = tpu.memref_slice %arg2[%dma_wait3A_101, %dma_wait3A_102] : memref<10000x256xbf16, #tpu.memory_space<hbm>> -> memref<32x256xbf16, #tpu.memory_space<hbm>>
      tpu.wait_dma2 semaphore(%arg14 : memref<!tpu.dma_semaphore, #tpu.memory_space<semaphore_mem>>) src(%dma_wait3A_103 : memref<32x256xbf16, #tpu.memory_space<hbm>>) dst(%arg12 : memref<32x256xbf16, #tpu.memory_space<vmem>>)
      %add3A_104 = arith.constant 1 : i32
      %add3A_105 = arith.addi %add3A_75, %add3A_104 : i32
      "tpu.region"() ({
        %run_scoped3A = tpu.sem_alloc : memref<!tpu.dma_semaphore, #tpu.memory_space<semaphore_mem>>
        %dma_start3A_106 = arith.constant 0 : i32
        %dma_start3A_107 = tpu.memref_slice %arg10[%add3A_105, %dma_start3A_106] : memref<272x32xi32, #tpu.memory_space<vmem>> -> memref<1x32xi32, #tpu.memory_space<vmem>>
        %dma_start3A_108 = tpu.memref_squeeze %dma_start3A_107 : memref<1x32xi32, #tpu.memory_space<vmem>> -> memref<32xi32, #tpu.memory_space<vmem>>
        %dma_start3A_109 = arith.constant 0 : i32
        %dma_start3A_110 = arith.constant 0 : i32
        %dma_start3A_111 = tpu.memref_slice %arg16[%dma_start3A_109, %dma_start3A_110] : memref<5008x256xbf16, #tpu.memory_space<vmem_shared>> -> memref<5008x256xbf16, #tpu.memory_space<vmem_shared>>
        tpu.enqueue_indirect_dma source(%arg12 : memref<32x256xbf16, #tpu.memory_space<vmem>>) target(%dma_start3A_111 : memref<5008x256xbf16, #tpu.memory_space<vmem_shared>>) offsets(%dma_start3A_108 : memref<32xi32, #tpu.memory_space<vmem>>) semaphore(%run_scoped3A : memref<!tpu.dma_semaphore, #tpu.memory_space<semaphore_mem>>) {add = true}
        %dma_wait3A_112 = arith.constant 0 : i32
        %dma_wait3A_113 = tpu.memref_slice %arg10[%add3A_105, %dma_wait3A_112] : memref<272x32xi32, #tpu.memory_space<vmem>> -> memref<1x32xi32, #tpu.memory_space<vmem>>
        %dma_wait3A_114 = tpu.memref_squeeze %dma_wait3A_113 : memref<1x32xi32, #tpu.memory_space<vmem>> -> memref<32xi32, #tpu.memory_space<vmem>>
        %dma_wait3A_115 = arith.constant 0 : i32
        %dma_wait3A_116 = arith.constant 0 : i32
        %dma_wait3A_117 = tpu.memref_slice %arg16[%dma_wait3A_115, %dma_wait3A_116] : memref<5008x256xbf16, #tpu.memory_space<vmem_shared>> -> memref<5008x256xbf16, #tpu.memory_space<vmem_shared>>
        tpu.wait_indirect_dma semaphore(%run_scoped3A : memref<!tpu.dma_semaphore, #tpu.memory_space<semaphore_mem>>) src(%arg12 : memref<32x256xbf16, #tpu.memory_space<vmem>>) dst(%dma_wait3A_117 : memref<5008x256xbf16, #tpu.memory_space<vmem_shared>>)
        tpu.yield
      }) : () -> ()
      "tpu.region"() ({
        %run_scoped3A = tpu.sem_alloc : memref<!tpu.dma_semaphore, #tpu.memory_space<semaphore_mem>>
        %dma_start3A_106 = arith.constant 0 : i32
        %dma_start3A_107 = tpu.memref_slice %arg10[%add3A_105, %dma_start3A_106] : memref<272x32xi32, #tpu.memory_space<vmem>> -> memref<1x32xi32, #tpu.memory_space<vmem>>
        %dma_start3A_108 = tpu.memref_squeeze %dma_start3A_107 : memref<1x32xi32, #tpu.memory_space<vmem>> -> memref<32xi32, #tpu.memory_space<vmem>>
        %dma_start3A_109 = arith.constant 0 : i32
        %dma_start3A_110 = arith.constant 0 : i32
        %dma_start3A_111 = tpu.memref_slice %arg17[%dma_start3A_109, %dma_start3A_110] : memref<5008x16xf32, #tpu.memory_space<vmem_shared>> -> memref<5008x16xf32, #tpu.memory_space<vmem_shared>>
        tpu.enqueue_indirect_dma source(%arg15 : memref<32x16xf32, #tpu.memory_space<vmem>>) target(%dma_start3A_111 : memref<5008x16xf32, #tpu.memory_space<vmem_shared>>) offsets(%dma_start3A_108 : memref<32xi32, #tpu.memory_space<vmem>>) semaphore(%run_scoped3A : memref<!tpu.dma_semaphore, #tpu.memory_space<semaphore_mem>>) {add = true}
        %dma_wait3A_112 = arith.constant 0 : i32
        %dma_wait3A_113 = tpu.memref_slice %arg10[%add3A_105, %dma_wait3A_112] : memref<272x32xi32, #tpu.memory_space<vmem>> -> memref<1x32xi32, #tpu.memory_space<vmem>>
        %dma_wait3A_114 = tpu.memref_squeeze %dma_wait3A_113 : memref<1x32xi32, #tpu.memory_space<vmem>> -> memref<32xi32, #tpu.memory_space<vmem>>
        %dma_wait3A_115 = arith.constant 0 : i32
        %dma_wait3A_116 = arith.constant 0 : i32
        %dma_wait3A_117 = tpu.memref_slice %arg17[%dma_wait3A_115, %dma_wait3A_116] : memref<5008x16xf32, #tpu.memory_space<vmem_shared>> -> memref<5008x16xf32, #tpu.memory_space<vmem_shared>>
        tpu.wait_indirect_dma semaphore(%run_scoped3A : memref<!tpu.dma_semaphore, #tpu.memory_space<semaphore_mem>>) src(%arg15 : memref<32x16xf32, #tpu.memory_space<vmem>>) dst(%dma_wait3A_117 : memref<5008x16xf32, #tpu.memory_space<vmem_shared>>)
        tpu.yield
      }) : () -> ()
    }
    %sub3A_41 = arith.constant 1 : i32
    %sub3A_42 = arith.subi %select_n3A, %sub3A_41 : i32
    %dma_start3A_43 = arith.constant 0 : i32
    %dma_start3A_44 = tpu.memref_slice %arg9[%sub3A_42, %dma_start3A_43] : memref<272x32xi32, #tpu.memory_space<vmem>> -> memref<1x32xi32, #tpu.memory_space<vmem>>
    %dma_start3A_45 = tpu.memref_squeeze %dma_start3A_44 : memref<1x32xi32, #tpu.memory_space<vmem>> -> memref<32xi32, #tpu.memory_space<vmem>>
    %dma_start3A_46 = arith.constant 0 : i32
    %dma_start3A_47 = arith.constant 0 : i32
    %dma_start3A_48 = tpu.memref_slice %arg2[%dma_start3A_46, %dma_start3A_47] : memref<10000x256xbf16, #tpu.memory_space<hbm>> -> memref<10000x256xbf16, #tpu.memory_space<hbm>>
    tpu.enqueue_indirect_dma source(%dma_start3A_48 : memref<10000x256xbf16, #tpu.memory_space<hbm>>) target(%arg12 : memref<32x256xbf16, #tpu.memory_space<vmem>>) offsets(%dma_start3A_45 : memref<32xi32, #tpu.memory_space<vmem>>) semaphore(%arg14 : memref<!tpu.dma_semaphore, #tpu.memory_space<semaphore_mem>>)
    %dma_wait3A = arith.constant 0 : i32
    %dma_wait3A_49 = arith.constant 0 : i32
    %dma_wait3A_50 = tpu.memref_slice %arg2[%dma_wait3A, %dma_wait3A_49] : memref<10000x256xbf16, #tpu.memory_space<hbm>> -> memref<32x256xbf16, #tpu.memory_space<hbm>>
    %dma_wait3A_51 = arith.constant 0 : i32
    %dma_wait3A_52 = arith.constant 0 : i32
    %dma_wait3A_53 = tpu.memref_slice %arg2[%dma_wait3A_51, %dma_wait3A_52] : memref<10000x256xbf16, #tpu.memory_space<hbm>> -> memref<32x256xbf16, #tpu.memory_space<hbm>>
    tpu.wait_dma2 semaphore(%arg13 : memref<!tpu.dma_semaphore, #tpu.memory_space<semaphore_mem>>) src(%dma_wait3A_53 : memref<32x256xbf16, #tpu.memory_space<hbm>>) dst(%arg11 : memref<32x256xbf16, #tpu.memory_space<vmem>>)
    %sub3A_54 = arith.constant 2 : i32
    %sub3A_55 = arith.subi %select_n3A, %sub3A_54 : i32
    "tpu.region"() ({
      %run_scoped3A = tpu.sem_alloc : memref<!tpu.dma_semaphore, #tpu.memory_space<semaphore_mem>>
      %dma_start3A_73 = arith.constant 0 : i32
      %dma_start3A_74 = tpu.memref_slice %arg10[%sub3A_55, %dma_start3A_73] : memref<272x32xi32, #tpu.memory_space<vmem>> -> memref<1x32xi32, #tpu.memory_space<vmem>>
      %dma_start3A_75 = tpu.memref_squeeze %dma_start3A_74 : memref<1x32xi32, #tpu.memory_space<vmem>> -> memref<32xi32, #tpu.memory_space<vmem>>
      %dma_start3A_76 = arith.constant 0 : i32
      %dma_start3A_77 = arith.constant 0 : i32
      %dma_start3A_78 = tpu.memref_slice %arg16[%dma_start3A_76, %dma_start3A_77] : memref<5008x256xbf16, #tpu.memory_space<vmem_shared>> -> memref<5008x256xbf16, #tpu.memory_space<vmem_shared>>
      tpu.enqueue_indirect_dma source(%arg11 : memref<32x256xbf16, #tpu.memory_space<vmem>>) target(%dma_start3A_78 : memref<5008x256xbf16, #tpu.memory_space<vmem_shared>>) offsets(%dma_start3A_75 : memref<32xi32, #tpu.memory_space<vmem>>) semaphore(%run_scoped3A : memref<!tpu.dma_semaphore, #tpu.memory_space<semaphore_mem>>) {add = true}
      %dma_wait3A_79 = arith.constant 0 : i32
      %dma_wait3A_80 = tpu.memref_slice %arg10[%sub3A_55, %dma_wait3A_79] : memref<272x32xi32, #tpu.memory_space<vmem>> -> memref<1x32xi32, #tpu.memory_space<vmem>>
      %dma_wait3A_81 = tpu.memref_squeeze %dma_wait3A_80 : memref<1x32xi32, #tpu.memory_space<vmem>> -> memref<32xi32, #tpu.memory_space<vmem>>
      %dma_wait3A_82 = arith.constant 0 : i32
      %dma_wait3A_83 = arith.constant 0 : i32
      %dma_wait3A_84 = tpu.memref_slice %arg16[%dma_wait3A_82, %dma_wait3A_83] : memref<5008x256xbf16, #tpu.memory_space<vmem_shared>> -> memref<5008x256xbf16, #tpu.memory_space<vmem_shared>>
      tpu.wait_indirect_dma semaphore(%run_scoped3A : memref<!tpu.dma_semaphore, #tpu.memory_space<semaphore_mem>>) src(%arg11 : memref<32x256xbf16, #tpu.memory_space<vmem>>) dst(%dma_wait3A_84 : memref<5008x256xbf16, #tpu.memory_space<vmem_shared>>)
      tpu.yield
    }) : () -> ()
    "tpu.region"() ({
      %run_scoped3A = tpu.sem_alloc : memref<!tpu.dma_semaphore, #tpu.memory_space<semaphore_mem>>
      %dma_start3A_73 = arith.constant 0 : i32
      %dma_start3A_74 = tpu.memref_slice %arg10[%sub3A_55, %dma_start3A_73] : memref<272x32xi32, #tpu.memory_space<vmem>> -> memref<1x32xi32, #tpu.memory_space<vmem>>
      %dma_start3A_75 = tpu.memref_squeeze %dma_start3A_74 : memref<1x32xi32, #tpu.memory_space<vmem>> -> memref<32xi32, #tpu.memory_space<vmem>>
      %dma_start3A_76 = arith.constant 0 : i32
      %dma_start3A_77 = arith.constant 0 : i32
      %dma_start3A_78 = tpu.memref_slice %arg17[%dma_start3A_76, %dma_start3A_77] : memref<5008x16xf32, #tpu.memory_space<vmem_shared>> -> memref<5008x16xf32, #tpu.memory_space<vmem_shared>>
      tpu.enqueue_indirect_dma source(%arg15 : memref<32x16xf32, #tpu.memory_space<vmem>>) target(%dma_start3A_78 : memref<5008x16xf32, #tpu.memory_space<vmem_shared>>) offsets(%dma_start3A_75 : memref<32xi32, #tpu.memory_space<vmem>>) semaphore(%run_scoped3A : memref<!tpu.dma_semaphore, #tpu.memory_space<semaphore_mem>>) {add = true}
      %dma_wait3A_79 = arith.constant 0 : i32
      %dma_wait3A_80 = tpu.memref_slice %arg10[%sub3A_55, %dma_wait3A_79] : memref<272x32xi32, #tpu.memory_space<vmem>> -> memref<1x32xi32, #tpu.memory_space<vmem>>
      %dma_wait3A_81 = tpu.memref_squeeze %dma_wait3A_80 : memref<1x32xi32, #tpu.memory_space<vmem>> -> memref<32xi32, #tpu.memory_space<vmem>>
      %dma_wait3A_82 = arith.constant 0 : i32
      %dma_wait3A_83 = arith.constant 0 : i32
      %dma_wait3A_84 = tpu.memref_slice %arg17[%dma_wait3A_82, %dma_wait3A_83] : memref<5008x16xf32, #tpu.memory_space<vmem_shared>> -> memref<5008x16xf32, #tpu.memory_space<vmem_shared>>
      tpu.wait_indirect_dma semaphore(%run_scoped3A : memref<!tpu.dma_semaphore, #tpu.memory_space<semaphore_mem>>) src(%arg15 : memref<32x16xf32, #tpu.memory_space<vmem>>) dst(%dma_wait3A_84 : memref<5008x16xf32, #tpu.memory_space<vmem_shared>>)
      tpu.yield
    }) : () -> ()
    %dma_wait3A_56 = arith.constant 0 : i32
    %dma_wait3A_57 = arith.constant 0 : i32
    %dma_wait3A_58 = tpu.memref_slice %arg2[%dma_wait3A_56, %dma_wait3A_57] : memref<10000x256xbf16, #tpu.memory_space<hbm>> -> memref<32x256xbf16, #tpu.memory_space<hbm>>
    %dma_wait3A_59 = arith.constant 0 : i32
    %dma_wait3A_60 = arith.constant 0 : i32
    %dma_wait3A_61 = tpu.memref_slice %arg2[%dma_wait3A_59, %dma_wait3A_60] : memref<10000x256xbf16, #tpu.memory_space<hbm>> -> memref<32x256xbf16, #tpu.memory_space<hbm>>
    tpu.wait_dma2 semaphore(%arg14 : memref<!tpu.dma_semaphore, #tpu.memory_space<semaphore_mem>>) src(%dma_wait3A_61 : memref<32x256xbf16, #tpu.memory_space<hbm>>) dst(%arg12 : memref<32x256xbf16, #tpu.memory_space<vmem>>)
    %sub3A_62 = arith.constant 1 : i32
    %sub3A_63 = arith.subi %select_n3A, %sub3A_62 : i32
    "tpu.region"() ({
      %run_scoped3A = tpu.sem_alloc : memref<!tpu.dma_semaphore, #tpu.memory_space<semaphore_mem>>
      %dma_start3A_73 = arith.constant 0 : i32
      %dma_start3A_74 = tpu.memref_slice %arg10[%sub3A_63, %dma_start3A_73] : memref<272x32xi32, #tpu.memory_space<vmem>> -> memref<1x32xi32, #tpu.memory_space<vmem>>
      %dma_start3A_75 = tpu.memref_squeeze %dma_start3A_74 : memref<1x32xi32, #tpu.memory_space<vmem>> -> memref<32xi32, #tpu.memory_space<vmem>>
      %dma_start3A_76 = arith.constant 0 : i32
      %dma_start3A_77 = arith.constant 0 : i32
      %dma_start3A_78 = tpu.memref_slice %arg16[%dma_start3A_76, %dma_start3A_77] : memref<5008x256xbf16, #tpu.memory_space<vmem_shared>> -> memref<5008x256xbf16, #tpu.memory_space<vmem_shared>>
      tpu.enqueue_indirect_dma source(%arg12 : memref<32x256xbf16, #tpu.memory_space<vmem>>) target(%dma_start3A_78 : memref<5008x256xbf16, #tpu.memory_space<vmem_shared>>) offsets(%dma_start3A_75 : memref<32xi32, #tpu.memory_space<vmem>>) semaphore(%run_scoped3A : memref<!tpu.dma_semaphore, #tpu.memory_space<semaphore_mem>>) {add = true}
      %dma_wait3A_79 = arith.constant 0 : i32
      %dma_wait3A_80 = tpu.memref_slice %arg10[%sub3A_63, %dma_wait3A_79] : memref<272x32xi32, #tpu.memory_space<vmem>> -> memref<1x32xi32, #tpu.memory_space<vmem>>
      %dma_wait3A_81 = tpu.memref_squeeze %dma_wait3A_80 : memref<1x32xi32, #tpu.memory_space<vmem>> -> memref<32xi32, #tpu.memory_space<vmem>>
      %dma_wait3A_82 = arith.constant 0 : i32
      %dma_wait3A_83 = arith.constant 0 : i32
      %dma_wait3A_84 = tpu.memref_slice %arg16[%dma_wait3A_82, %dma_wait3A_83] : memref<5008x256xbf16, #tpu.memory_space<vmem_shared>> -> memref<5008x256xbf16, #tpu.memory_space<vmem_shared>>
      tpu.wait_indirect_dma semaphore(%run_scoped3A : memref<!tpu.dma_semaphore, #tpu.memory_space<semaphore_mem>>) src(%arg12 : memref<32x256xbf16, #tpu.memory_space<vmem>>) dst(%dma_wait3A_84 : memref<5008x256xbf16, #tpu.memory_space<vmem_shared>>)
      tpu.yield
    }) : () -> ()
    "tpu.region"() ({
      %run_scoped3A = tpu.sem_alloc : memref<!tpu.dma_semaphore, #tpu.memory_space<semaphore_mem>>
      %dma_start3A_73 = arith.constant 0 : i32
      %dma_start3A_74 = tpu.memref_slice %arg10[%sub3A_63, %dma_start3A_73] : memref<272x32xi32, #tpu.memory_space<vmem>> -> memref<1x32xi32, #tpu.memory_space<vmem>>
      %dma_start3A_75 = tpu.memref_squeeze %dma_start3A_74 : memref<1x32xi32, #tpu.memory_space<vmem>> -> memref<32xi32, #tpu.memory_space<vmem>>
      %dma_start3A_76 = arith.constant 0 : i32
      %dma_start3A_77 = arith.constant 0 : i32
      %dma_start3A_78 = tpu.memref_slice %arg17[%dma_start3A_76, %dma_start3A_77] : memref<5008x16xf32, #tpu.memory_space<vmem_shared>> -> memref<5008x16xf32, #tpu.memory_space<vmem_shared>>
      tpu.enqueue_indirect_dma source(%arg15 : memref<32x16xf32, #tpu.memory_space<vmem>>) target(%dma_start3A_78 : memref<5008x16xf32, #tpu.memory_space<vmem_shared>>) offsets(%dma_start3A_75 : memref<32xi32, #tpu.memory_space<vmem>>) semaphore(%run_scoped3A : memref<!tpu.dma_semaphore, #tpu.memory_space<semaphore_mem>>) {add = true}
      %dma_wait3A_79 = arith.constant 0 : i32
      %dma_wait3A_80 = tpu.memref_slice %arg10[%sub3A_63, %dma_wait3A_79] : memref<272x32xi32, #tpu.memory_space<vmem>> -> memref<1x32xi32, #tpu.memory_space<vmem>>
      %dma_wait3A_81 = tpu.memref_squeeze %dma_wait3A_80 : memref<1x32xi32, #tpu.memory_space<vmem>> -> memref<32xi32, #tpu.memory_space<vmem>>
      %dma_wait3A_82 = arith.constant 0 : i32
      %dma_wait3A_83 = arith.constant 0 : i32
      %dma_wait3A_84 = tpu.memref_slice %arg17[%dma_wait3A_82, %dma_wait3A_83] : memref<5008x16xf32, #tpu.memory_space<vmem_shared>> -> memref<5008x16xf32, #tpu.memory_space<vmem_shared>>
      tpu.wait_indirect_dma semaphore(%run_scoped3A : memref<!tpu.dma_semaphore, #tpu.memory_space<semaphore_mem>>) src(%arg15 : memref<32x16xf32, #tpu.memory_space<vmem>>) dst(%dma_wait3A_84 : memref<5008x16xf32, #tpu.memory_space<vmem_shared>>)
      tpu.yield
    }) : () -> ()
    %barrier3A_64 = arith.constant 0 : index
    tpu.barrier barrier_id(%barrier3A_64)
    %mul3A_65 = arith.constant 313 : i32
    %mul3A_66 = arith.muli %arg1, %mul3A_65 : i32
    %mul3A_67 = arith.constant 313 : i32
    %mul3A_68 = arith.muli %arg1, %mul3A_67 : i32
    "tpu.region"() ({
      %run_scoped3A = tpu.sem_alloc : memref<!tpu.dma_semaphore, #tpu.memory_space<semaphore_mem>>
      %dma_start3A_73 = arith.constant 0 : i32
      %dma_start3A_74 = arith.constant 0 : i32
      %dma_start3A_75 = tpu.memref_slice %arg7[%arg0, %dma_start3A_73, %dma_start3A_74] : memref<2x5008x256xbf16, #tpu.memory_space<hbm>> -> memref<1x5008x256xbf16, #tpu.memory_space<hbm>>
      %dma_start3A_76 = tpu.memref_squeeze %dma_start3A_75 : memref<1x5008x256xbf16, #tpu.memory_space<hbm>> -> memref<5008x256xbf16, #tpu.memory_space<hbm>>
      %dma_start3A_77 = arith.constant 0 : i32
      %dma_start3A_78 = tpu.memref_slice %dma_start3A_76[%mul3A_68, %dma_start3A_77] : memref<5008x256xbf16, #tpu.memory_space<hbm>> -> memref<313x256xbf16, #tpu.memory_space<hbm>>
      %dma_start3A_79 = arith.constant 0 : i32
      %dma_start3A_80 = tpu.memref_slice %arg16[%mul3A_66, %dma_start3A_79] : memref<5008x256xbf16, #tpu.memory_space<vmem_shared>> -> memref<313x256xbf16, #tpu.memory_space<vmem_shared>>
      tpu.enqueue_dma source(%dma_start3A_80 : memref<313x256xbf16, #tpu.memory_space<vmem_shared>>) target(%dma_start3A_78 : memref<313x256xbf16, #tpu.memory_space<hbm>>) target_semaphore(%run_scoped3A : memref<!tpu.dma_semaphore, #tpu.memory_space<semaphore_mem>>)
      %dma_wait3A_81 = arith.constant 0 : i32
      %dma_wait3A_82 = arith.constant 0 : i32
      %dma_wait3A_83 = tpu.memref_slice %arg7[%arg0, %dma_wait3A_81, %dma_wait3A_82] : memref<2x5008x256xbf16, #tpu.memory_space<hbm>> -> memref<1x5008x256xbf16, #tpu.memory_space<hbm>>
      %dma_wait3A_84 = tpu.memref_squeeze %dma_wait3A_83 : memref<1x5008x256xbf16, #tpu.memory_space<hbm>> -> memref<5008x256xbf16, #tpu.memory_space<hbm>>
      %dma_wait3A_85 = arith.constant 0 : i32
      %dma_wait3A_86 = tpu.memref_slice %dma_wait3A_84[%mul3A_68, %dma_wait3A_85] : memref<5008x256xbf16, #tpu.memory_space<hbm>> -> memref<313x256xbf16, #tpu.memory_space<hbm>>
      %dma_wait3A_87 = arith.constant 0 : i32
      %dma_wait3A_88 = tpu.memref_slice %arg16[%mul3A_66, %dma_wait3A_87] : memref<5008x256xbf16, #tpu.memory_space<vmem_shared>> -> memref<313x256xbf16, #tpu.memory_space<vmem_shared>>
      tpu.wait_dma2 semaphore(%run_scoped3A : memref<!tpu.dma_semaphore, #tpu.memory_space<semaphore_mem>>) src(%dma_wait3A_88 : memref<313x256xbf16, #tpu.memory_space<vmem_shared>>) dst(%dma_wait3A_86 : memref<313x256xbf16, #tpu.memory_space<hbm>>)
      tpu.yield
    }) : () -> ()
    %mul3A_69 = arith.constant 313 : i32
    %mul3A_70 = arith.muli %arg1, %mul3A_69 : i32
    %mul3A_71 = arith.constant 313 : i32
    %mul3A_72 = arith.muli %arg1, %mul3A_71 : i32
    "tpu.region"() ({
      %run_scoped3A = tpu.sem_alloc : memref<!tpu.dma_semaphore, #tpu.memory_space<semaphore_mem>>
      %dma_start3A_73 = arith.constant 0 : i32
      %dma_start3A_74 = arith.constant 0 : i32
      %dma_start3A_75 = tpu.memref_slice %arg8[%arg0, %dma_start3A_73, %dma_start3A_74] : memref<2x5008x16xf32, #tpu.memory_space<hbm>> -> memref<1x5008x16xf32, #tpu.memory_space<hbm>>
      %dma_start3A_76 = tpu.memref_squeeze %dma_start3A_75 : memref<1x5008x16xf32, #tpu.memory_space<hbm>> -> memref<5008x16xf32, #tpu.memory_space<hbm>>
      %dma_start3A_77 = arith.constant 0 : i32
      %dma_start3A_78 = tpu.memref_slice %dma_start3A_76[%mul3A_72, %dma_start3A_77] : memref<5008x16xf32, #tpu.memory_space<hbm>> -> memref<313x16xf32, #tpu.memory_space<hbm>>
      %dma_start3A_79 = arith.constant 0 : i32
      %dma_start3A_80 = tpu.memref_slice %arg17[%mul3A_70, %dma_start3A_79] : memref<5008x16xf32, #tpu.memory_space<vmem_shared>> -> memref<313x16xf32, #tpu.memory_space<vmem_shared>>
      tpu.enqueue_dma source(%dma_start3A_80 : memref<313x16xf32, #tpu.memory_space<vmem_shared>>) target(%dma_start3A_78 : memref<313x16xf32, #tpu.memory_space<hbm>>) target_semaphore(%run_scoped3A : memref<!tpu.dma_semaphore, #tpu.memory_space<semaphore_mem>>)
      %dma_wait3A_81 = arith.constant 0 : i32
      %dma_wait3A_82 = arith.constant 0 : i32
      %dma_wait3A_83 = tpu.memref_slice %arg8[%arg0, %dma_wait3A_81, %dma_wait3A_82] : memref<2x5008x16xf32, #tpu.memory_space<hbm>> -> memref<1x5008x16xf32, #tpu.memory_space<hbm>>
      %dma_wait3A_84 = tpu.memref_squeeze %dma_wait3A_83 : memref<1x5008x16xf32, #tpu.memory_space<hbm>> -> memref<5008x16xf32, #tpu.memory_space<hbm>>
      %dma_wait3A_85 = arith.constant 0 : i32
      %dma_wait3A_86 = tpu.memref_slice %dma_wait3A_84[%mul3A_72, %dma_wait3A_85] : memref<5008x16xf32, #tpu.memory_space<hbm>> -> memref<313x16xf32, #tpu.memory_space<hbm>>
      %dma_wait3A_87 = arith.constant 0 : i32
      %dma_wait3A_88 = tpu.memref_slice %arg17[%mul3A_70, %dma_wait3A_87] : memref<5008x16xf32, #tpu.memory_space<vmem_shared>> -> memref<313x16xf32, #tpu.memory_space<vmem_shared>>
      tpu.wait_dma2 semaphore(%run_scoped3A : memref<!tpu.dma_semaphore, #tpu.memory_space<semaphore_mem>>) src(%dma_wait3A_88 : memref<313x16xf32, #tpu.memory_space<vmem_shared>>) dst(%dma_wait3A_86 : memref<313x16xf32, #tpu.memory_space<hbm>>)
      tpu.yield
    }) : () -> ()
    return
  }
}

#map = affine_map<(d0, d1) -> (0, 0)>
#map1 = affine_map<(d0, d1) -> (0, 0, 0)>
module attributes {stable_mosaic.version = 14 : i64} {
  func.func @_seg_body(%arg0: i32, %arg1: i32, %arg2: memref<5000x16xf32, #tpu.memory_space<hbm>>, %arg3: memref<640x128xi32, #tpu.memory_space<hbm>>, %arg4: memref<640x128xi32, #tpu.memory_space<hbm>>, %arg5: memref<2560x16xf32, #tpu.memory_space<hbm>>, %arg6: memref<2688x16xf32, #tpu.memory_space<hbm>>, %arg7: memref<2x2560x16xf32, #tpu.memory_space<hbm>>, %arg8: memref<2x2560x16xf32, #tpu.memory_space<hbm>>, %arg9: memref<20x128xi32, #tpu.memory_space<vmem>>, %arg10: memref<20x128xi32, #tpu.memory_space<vmem>>, %arg11: memref<128x16xf32, #tpu.memory_space<vmem>>, %arg12: memref<128x16xf32, #tpu.memory_space<vmem>>, %arg13: memref<!tpu.dma_semaphore, #tpu.memory_space<semaphore_mem>>, %arg14: memref<!tpu.dma_semaphore, #tpu.memory_space<semaphore_mem>>, %arg15: memref<128x16xf32, #tpu.memory_space<vmem>>, %arg16: memref<2560x16xf32, #tpu.memory_space<vmem_shared>>, %arg17: memref<2560x16xf32, #tpu.memory_space<vmem_shared>>) attributes {dimension_semantics = [#tpu.dimension_semantics<core_parallel>, #tpu.dimension_semantics<subcore_parallel>], iteration_bounds = array<i64: 2, 16>, scalar_prefetch = 0 : i64, scratch_operands = 9 : i64, tpu.core_type = #tpu.core_type<sc_vector_subcore>, window_params = [{transform_indices = #map}, {transform_indices = #map}, {transform_indices = #map}, {transform_indices = #map}, {transform_indices = #map}, {transform_indices = #map1}, {transform_indices = #map1}]} {
    %eq3A = arith.constant 0 : i32
    %eq3A_0 = arith.cmpi eq, %arg0, %eq3A : i32
    %jit3A = arith.constant 20 : i32
    %jit3A_1 = arith.constant 20 : i32
    %select_n3A = arith.select %eq3A_0, %jit3A, %jit3A_1 : i32
    %eq3A_2 = arith.constant 0 : i32
    %eq3A_3 = arith.cmpi eq, %arg0, %eq3A_2 : i32
    %mul3A = arith.constant 20 : i32
    %mul3A_4 = arith.muli %arg1, %mul3A : i32
    %mul3A_5 = arith.constant 20 : i32
    %mul3A_6 = arith.muli %arg1, %mul3A_5 : i32
    %add3A = arith.constant 320 : i32
    %add3A_7 = arith.addi %add3A, %mul3A_6 : i32
    %select_n3A_8 = arith.select %eq3A_3, %mul3A_4, %add3A_7 : i32
    %mul3A_9 = arith.constant 160 : i32
    %mul3A_10 = arith.muli %arg1, %mul3A_9 : i32
    %mul3A_11 = arith.constant 160 : i32
    %mul3A_12 = arith.muli %arg1, %mul3A_11 : i32
    "tpu.region"() ({
      %run_scoped3A = tpu.sem_alloc : memref<!tpu.dma_semaphore, #tpu.memory_space<semaphore_mem>>
      %dma_start3A_73 = arith.constant 0 : i32
      %dma_start3A_74 = tpu.memref_slice %arg16[%mul3A_12, %dma_start3A_73] : memref<2560x16xf32, #tpu.memory_space<vmem_shared>> -> memref<160x16xf32, #tpu.memory_space<vmem_shared>>
      %dma_start3A_75 = arith.constant 0 : i32
      %dma_start3A_76 = tpu.memref_slice %arg5[%mul3A_10, %dma_start3A_75] : memref<2560x16xf32, #tpu.memory_space<hbm>> -> memref<160x16xf32, #tpu.memory_space<hbm>>
      tpu.enqueue_dma source(%dma_start3A_76 : memref<160x16xf32, #tpu.memory_space<hbm>>) target(%dma_start3A_74 : memref<160x16xf32, #tpu.memory_space<vmem_shared>>) target_semaphore(%run_scoped3A : memref<!tpu.dma_semaphore, #tpu.memory_space<semaphore_mem>>)
      %dma_wait3A_77 = arith.constant 0 : i32
      %dma_wait3A_78 = tpu.memref_slice %arg16[%mul3A_12, %dma_wait3A_77] : memref<2560x16xf32, #tpu.memory_space<vmem_shared>> -> memref<160x16xf32, #tpu.memory_space<vmem_shared>>
      %dma_wait3A_79 = arith.constant 0 : i32
      %dma_wait3A_80 = tpu.memref_slice %arg5[%mul3A_10, %dma_wait3A_79] : memref<2560x16xf32, #tpu.memory_space<hbm>> -> memref<160x16xf32, #tpu.memory_space<hbm>>
      tpu.wait_dma2 semaphore(%run_scoped3A : memref<!tpu.dma_semaphore, #tpu.memory_space<semaphore_mem>>) src(%dma_wait3A_80 : memref<160x16xf32, #tpu.memory_space<hbm>>) dst(%dma_wait3A_78 : memref<160x16xf32, #tpu.memory_space<vmem_shared>>)
      tpu.yield
    }) : () -> ()
    %mul3A_13 = arith.constant 160 : i32
    %mul3A_14 = arith.muli %arg1, %mul3A_13 : i32
    %mul3A_15 = arith.constant 160 : i32
    %mul3A_16 = arith.muli %arg1, %mul3A_15 : i32
    "tpu.region"() ({
      %run_scoped3A = tpu.sem_alloc : memref<!tpu.dma_semaphore, #tpu.memory_space<semaphore_mem>>
      %dma_start3A_73 = arith.constant 0 : i32
      %dma_start3A_74 = tpu.memref_slice %arg17[%mul3A_16, %dma_start3A_73] : memref<2560x16xf32, #tpu.memory_space<vmem_shared>> -> memref<160x16xf32, #tpu.memory_space<vmem_shared>>
      %dma_start3A_75 = arith.constant 0 : i32
      %dma_start3A_76 = tpu.memref_slice %arg6[%mul3A_14, %dma_start3A_75] : memref<2688x16xf32, #tpu.memory_space<hbm>> -> memref<160x16xf32, #tpu.memory_space<hbm>>
      tpu.enqueue_dma source(%dma_start3A_76 : memref<160x16xf32, #tpu.memory_space<hbm>>) target(%dma_start3A_74 : memref<160x16xf32, #tpu.memory_space<vmem_shared>>) target_semaphore(%run_scoped3A : memref<!tpu.dma_semaphore, #tpu.memory_space<semaphore_mem>>)
      %dma_wait3A_77 = arith.constant 0 : i32
      %dma_wait3A_78 = tpu.memref_slice %arg17[%mul3A_16, %dma_wait3A_77] : memref<2560x16xf32, #tpu.memory_space<vmem_shared>> -> memref<160x16xf32, #tpu.memory_space<vmem_shared>>
      %dma_wait3A_79 = arith.constant 0 : i32
      %dma_wait3A_80 = tpu.memref_slice %arg6[%mul3A_14, %dma_wait3A_79] : memref<2688x16xf32, #tpu.memory_space<hbm>> -> memref<160x16xf32, #tpu.memory_space<hbm>>
      tpu.wait_dma2 semaphore(%run_scoped3A : memref<!tpu.dma_semaphore, #tpu.memory_space<semaphore_mem>>) src(%dma_wait3A_80 : memref<160x16xf32, #tpu.memory_space<hbm>>) dst(%dma_wait3A_78 : memref<160x16xf32, #tpu.memory_space<vmem_shared>>)
      tpu.yield
    }) : () -> ()
    "tpu.region"() ({
      %run_scoped3A = tpu.sem_alloc : memref<!tpu.dma_semaphore, #tpu.memory_space<semaphore_mem>>
      %dma_start3A_73 = arith.constant 2560 : i32
      %dma_start3A_74 = arith.constant 0 : i32
      %dma_start3A_75 = tpu.memref_slice %arg6[%dma_start3A_73, %dma_start3A_74] : memref<2688x16xf32, #tpu.memory_space<hbm>> -> memref<128x16xf32, #tpu.memory_space<hbm>>
      %dma_start3A_76 = arith.constant 2560 : i32
      %dma_start3A_77 = arith.constant 0 : i32
      %dma_start3A_78 = tpu.memref_slice %arg6[%dma_start3A_76, %dma_start3A_77] : memref<2688x16xf32, #tpu.memory_space<hbm>> -> memref<128x16xf32, #tpu.memory_space<hbm>>
      tpu.enqueue_dma source(%dma_start3A_78 : memref<128x16xf32, #tpu.memory_space<hbm>>) target(%arg15 : memref<128x16xf32, #tpu.memory_space<vmem>>) target_semaphore(%run_scoped3A : memref<!tpu.dma_semaphore, #tpu.memory_space<semaphore_mem>>)
      %dma_wait3A_79 = arith.constant 2560 : i32
      %dma_wait3A_80 = arith.constant 0 : i32
      %dma_wait3A_81 = tpu.memref_slice %arg6[%dma_wait3A_79, %dma_wait3A_80] : memref<2688x16xf32, #tpu.memory_space<hbm>> -> memref<128x16xf32, #tpu.memory_space<hbm>>
      %dma_wait3A_82 = arith.constant 2560 : i32
      %dma_wait3A_83 = arith.constant 0 : i32
      %dma_wait3A_84 = tpu.memref_slice %arg6[%dma_wait3A_82, %dma_wait3A_83] : memref<2688x16xf32, #tpu.memory_space<hbm>> -> memref<128x16xf32, #tpu.memory_space<hbm>>
      tpu.wait_dma2 semaphore(%run_scoped3A : memref<!tpu.dma_semaphore, #tpu.memory_space<semaphore_mem>>) src(%dma_wait3A_84 : memref<128x16xf32, #tpu.memory_space<hbm>>) dst(%arg15 : memref<128x16xf32, #tpu.memory_space<vmem>>)
      tpu.yield
    }) : () -> ()
    "tpu.region"() ({
      %run_scoped3A = tpu.sem_alloc : memref<!tpu.dma_semaphore, #tpu.memory_space<semaphore_mem>>
      %dma_start3A_73 = arith.constant 0 : i32
      %dma_start3A_74 = tpu.memref_slice %arg3[%select_n3A_8, %dma_start3A_73] : memref<640x128xi32, #tpu.memory_space<hbm>> -> memref<20x128xi32, #tpu.memory_space<hbm>>
      %dma_start3A_75 = arith.constant 0 : i32
      %dma_start3A_76 = tpu.memref_slice %arg3[%select_n3A_8, %dma_start3A_75] : memref<640x128xi32, #tpu.memory_space<hbm>> -> memref<20x128xi32, #tpu.memory_space<hbm>>
      tpu.enqueue_dma source(%dma_start3A_76 : memref<20x128xi32, #tpu.memory_space<hbm>>) target(%arg9 : memref<20x128xi32, #tpu.memory_space<vmem>>) target_semaphore(%run_scoped3A : memref<!tpu.dma_semaphore, #tpu.memory_space<semaphore_mem>>)
      %dma_wait3A_77 = arith.constant 0 : i32
      %dma_wait3A_78 = tpu.memref_slice %arg3[%select_n3A_8, %dma_wait3A_77] : memref<640x128xi32, #tpu.memory_space<hbm>> -> memref<20x128xi32, #tpu.memory_space<hbm>>
      %dma_wait3A_79 = arith.constant 0 : i32
      %dma_wait3A_80 = tpu.memref_slice %arg3[%select_n3A_8, %dma_wait3A_79] : memref<640x128xi32, #tpu.memory_space<hbm>> -> memref<20x128xi32, #tpu.memory_space<hbm>>
      tpu.wait_dma2 semaphore(%run_scoped3A : memref<!tpu.dma_semaphore, #tpu.memory_space<semaphore_mem>>) src(%dma_wait3A_80 : memref<20x128xi32, #tpu.memory_space<hbm>>) dst(%arg9 : memref<20x128xi32, #tpu.memory_space<vmem>>)
      tpu.yield
    }) : () -> ()
    "tpu.region"() ({
      %run_scoped3A = tpu.sem_alloc : memref<!tpu.dma_semaphore, #tpu.memory_space<semaphore_mem>>
      %dma_start3A_73 = arith.constant 0 : i32
      %dma_start3A_74 = tpu.memref_slice %arg4[%select_n3A_8, %dma_start3A_73] : memref<640x128xi32, #tpu.memory_space<hbm>> -> memref<20x128xi32, #tpu.memory_space<hbm>>
      %dma_start3A_75 = arith.constant 0 : i32
      %dma_start3A_76 = tpu.memref_slice %arg4[%select_n3A_8, %dma_start3A_75] : memref<640x128xi32, #tpu.memory_space<hbm>> -> memref<20x128xi32, #tpu.memory_space<hbm>>
      tpu.enqueue_dma source(%dma_start3A_76 : memref<20x128xi32, #tpu.memory_space<hbm>>) target(%arg10 : memref<20x128xi32, #tpu.memory_space<vmem>>) target_semaphore(%run_scoped3A : memref<!tpu.dma_semaphore, #tpu.memory_space<semaphore_mem>>)
      %dma_wait3A_77 = arith.constant 0 : i32
      %dma_wait3A_78 = tpu.memref_slice %arg4[%select_n3A_8, %dma_wait3A_77] : memref<640x128xi32, #tpu.memory_space<hbm>> -> memref<20x128xi32, #tpu.memory_space<hbm>>
      %dma_wait3A_79 = arith.constant 0 : i32
      %dma_wait3A_80 = tpu.memref_slice %arg4[%select_n3A_8, %dma_wait3A_79] : memref<640x128xi32, #tpu.memory_space<hbm>> -> memref<20x128xi32, #tpu.memory_space<hbm>>
      tpu.wait_dma2 semaphore(%run_scoped3A : memref<!tpu.dma_semaphore, #tpu.memory_space<semaphore_mem>>) src(%dma_wait3A_80 : memref<20x128xi32, #tpu.memory_space<hbm>>) dst(%arg10 : memref<20x128xi32, #tpu.memory_space<vmem>>)
      tpu.yield
    }) : () -> ()
    %barrier3A = arith.constant 0 : index
    tpu.barrier barrier_id(%barrier3A)
    %dma_start3A = arith.constant 0 : i32
    %dma_start3A_17 = arith.constant 0 : i32
    %dma_start3A_18 = tpu.memref_slice %arg9[%dma_start3A, %dma_start3A_17] : memref<20x128xi32, #tpu.memory_space<vmem>> -> memref<1x128xi32, #tpu.memory_space<vmem>>
    %dma_start3A_19 = tpu.memref_squeeze %dma_start3A_18 : memref<1x128xi32, #tpu.memory_space<vmem>> -> memref<128xi32, #tpu.memory_space<vmem>>
    %dma_start3A_20 = arith.constant 0 : i32
    %dma_start3A_21 = arith.constant 0 : i32
    %dma_start3A_22 = tpu.memref_slice %arg2[%dma_start3A_20, %dma_start3A_21] : memref<5000x16xf32, #tpu.memory_space<hbm>> -> memref<5000x16xf32, #tpu.memory_space<hbm>>
    tpu.enqueue_indirect_dma source(%dma_start3A_22 : memref<5000x16xf32, #tpu.memory_space<hbm>>) target(%arg11 : memref<128x16xf32, #tpu.memory_space<vmem>>) offsets(%dma_start3A_19 : memref<128xi32, #tpu.memory_space<vmem>>) semaphore(%arg13 : memref<!tpu.dma_semaphore, #tpu.memory_space<semaphore_mem>>)
    %sub3A = arith.constant 2 : i32
    %sub3A_23 = arith.subi %select_n3A, %sub3A : i32
    %sub3A_24 = arith.constant 0 : i32
    %sub3A_25 = arith.subi %sub3A_23, %sub3A_24 : i32
    %sub3A_26 = arith.constant 2 : i32
    %sub3A_27 = arith.constant 1 : i32
    %sub3A_28 = arith.subi %sub3A_26, %sub3A_27 : i32
    %add3A_29 = arith.addi %sub3A_25, %sub3A_28 : i32
    %div3A = arith.constant 2 : i32
    %div3A_30 = arith.divsi %add3A_29, %div3A : i32
    %while3A = arith.constant 2 : i32
    %while3A_31 = arith.constant 0 : i32
    %while3A_32 = arith.constant 0 : i32
    %while3A_33 = arith.subi %div3A_30, %while3A_32 : i32
    %while3A_34 = arith.addi %while3A_32, %while3A_33 : i32
    %while3A_35 = arith.constant 1 : i32
    %while3A_36 = arith.divsi %while3A_33, %while3A_35 : i32
    %while3A_37 = arith.muli %while3A_36, %while3A_35 : i32
    %while3A_38 = arith.addi %while3A_32, %while3A_37 : i32
    %while3A_39 = arith.constant 1 : i32
    scf.for %while3A_73 = %while3A_32 to %while3A_38 step %while3A_39  : i32 {
      %mul3A_74 = arith.muli %while3A_73, %while3A : i32
      %add3A_75 = arith.addi %while3A_31, %mul3A_74 : i32
      %add3A_76 = arith.constant 1 : i32
      %add3A_77 = arith.addi %add3A_75, %add3A_76 : i32
      %dma_start3A_78 = arith.constant 0 : i32
      %dma_start3A_79 = tpu.memref_slice %arg9[%add3A_77, %dma_start3A_78] : memref<20x128xi32, #tpu.memory_space<vmem>> -> memref<1x128xi32, #tpu.memory_space<vmem>>
      %dma_start3A_80 = tpu.memref_squeeze %dma_start3A_79 : memref<1x128xi32, #tpu.memory_space<vmem>> -> memref<128xi32, #tpu.memory_space<vmem>>
      %dma_start3A_81 = arith.constant 0 : i32
      %dma_start3A_82 = arith.constant 0 : i32
      %dma_start3A_83 = tpu.memref_slice %arg2[%dma_start3A_81, %dma_start3A_82] : memref<5000x16xf32, #tpu.memory_space<hbm>> -> memref<5000x16xf32, #tpu.memory_space<hbm>>
      tpu.enqueue_indirect_dma source(%dma_start3A_83 : memref<5000x16xf32, #tpu.memory_space<hbm>>) target(%arg12 : memref<128x16xf32, #tpu.memory_space<vmem>>) offsets(%dma_start3A_80 : memref<128xi32, #tpu.memory_space<vmem>>) semaphore(%arg14 : memref<!tpu.dma_semaphore, #tpu.memory_space<semaphore_mem>>)
      %dma_wait3A_84 = arith.constant 0 : i32
      %dma_wait3A_85 = arith.constant 0 : i32
      %dma_wait3A_86 = tpu.memref_slice %arg2[%dma_wait3A_84, %dma_wait3A_85] : memref<5000x16xf32, #tpu.memory_space<hbm>> -> memref<128x16xf32, #tpu.memory_space<hbm>>
      %dma_wait3A_87 = arith.constant 0 : i32
      %dma_wait3A_88 = arith.constant 0 : i32
      %dma_wait3A_89 = tpu.memref_slice %arg2[%dma_wait3A_87, %dma_wait3A_88] : memref<5000x16xf32, #tpu.memory_space<hbm>> -> memref<128x16xf32, #tpu.memory_space<hbm>>
      tpu.wait_dma2 semaphore(%arg13 : memref<!tpu.dma_semaphore, #tpu.memory_space<semaphore_mem>>) src(%dma_wait3A_89 : memref<128x16xf32, #tpu.memory_space<hbm>>) dst(%arg11 : memref<128x16xf32, #tpu.memory_space<vmem>>)
      "tpu.region"() ({
        %run_scoped3A = tpu.sem_alloc : memref<!tpu.dma_semaphore, #tpu.memory_space<semaphore_mem>>
        %dma_start3A_106 = arith.constant 0 : i32
        %dma_start3A_107 = tpu.memref_slice %arg10[%add3A_75, %dma_start3A_106] : memref<20x128xi32, #tpu.memory_space<vmem>> -> memref<1x128xi32, #tpu.memory_space<vmem>>
        %dma_start3A_108 = tpu.memref_squeeze %dma_start3A_107 : memref<1x128xi32, #tpu.memory_space<vmem>> -> memref<128xi32, #tpu.memory_space<vmem>>
        %dma_start3A_109 = arith.constant 0 : i32
        %dma_start3A_110 = arith.constant 0 : i32
        %dma_start3A_111 = tpu.memref_slice %arg16[%dma_start3A_109, %dma_start3A_110] : memref<2560x16xf32, #tpu.memory_space<vmem_shared>> -> memref<2560x16xf32, #tpu.memory_space<vmem_shared>>
        tpu.enqueue_indirect_dma source(%arg11 : memref<128x16xf32, #tpu.memory_space<vmem>>) target(%dma_start3A_111 : memref<2560x16xf32, #tpu.memory_space<vmem_shared>>) offsets(%dma_start3A_108 : memref<128xi32, #tpu.memory_space<vmem>>) semaphore(%run_scoped3A : memref<!tpu.dma_semaphore, #tpu.memory_space<semaphore_mem>>) {add = true}
        %dma_wait3A_112 = arith.constant 0 : i32
        %dma_wait3A_113 = tpu.memref_slice %arg10[%add3A_75, %dma_wait3A_112] : memref<20x128xi32, #tpu.memory_space<vmem>> -> memref<1x128xi32, #tpu.memory_space<vmem>>
        %dma_wait3A_114 = tpu.memref_squeeze %dma_wait3A_113 : memref<1x128xi32, #tpu.memory_space<vmem>> -> memref<128xi32, #tpu.memory_space<vmem>>
        %dma_wait3A_115 = arith.constant 0 : i32
        %dma_wait3A_116 = arith.constant 0 : i32
        %dma_wait3A_117 = tpu.memref_slice %arg16[%dma_wait3A_115, %dma_wait3A_116] : memref<2560x16xf32, #tpu.memory_space<vmem_shared>> -> memref<2560x16xf32, #tpu.memory_space<vmem_shared>>
        tpu.wait_indirect_dma semaphore(%run_scoped3A : memref<!tpu.dma_semaphore, #tpu.memory_space<semaphore_mem>>) src(%arg11 : memref<128x16xf32, #tpu.memory_space<vmem>>) dst(%dma_wait3A_117 : memref<2560x16xf32, #tpu.memory_space<vmem_shared>>)
        tpu.yield
      }) : () -> ()
      "tpu.region"() ({
        %run_scoped3A = tpu.sem_alloc : memref<!tpu.dma_semaphore, #tpu.memory_space<semaphore_mem>>
        %dma_start3A_106 = arith.constant 0 : i32
        %dma_start3A_107 = tpu.memref_slice %arg10[%add3A_75, %dma_start3A_106] : memref<20x128xi32, #tpu.memory_space<vmem>> -> memref<1x128xi32, #tpu.memory_space<vmem>>
        %dma_start3A_108 = tpu.memref_squeeze %dma_start3A_107 : memref<1x128xi32, #tpu.memory_space<vmem>> -> memref<128xi32, #tpu.memory_space<vmem>>
        %dma_start3A_109 = arith.constant 0 : i32
        %dma_start3A_110 = arith.constant 0 : i32
        %dma_start3A_111 = tpu.memref_slice %arg17[%dma_start3A_109, %dma_start3A_110] : memref<2560x16xf32, #tpu.memory_space<vmem_shared>> -> memref<2560x16xf32, #tpu.memory_space<vmem_shared>>
        tpu.enqueue_indirect_dma source(%arg15 : memref<128x16xf32, #tpu.memory_space<vmem>>) target(%dma_start3A_111 : memref<2560x16xf32, #tpu.memory_space<vmem_shared>>) offsets(%dma_start3A_108 : memref<128xi32, #tpu.memory_space<vmem>>) semaphore(%run_scoped3A : memref<!tpu.dma_semaphore, #tpu.memory_space<semaphore_mem>>) {add = true}
        %dma_wait3A_112 = arith.constant 0 : i32
        %dma_wait3A_113 = tpu.memref_slice %arg10[%add3A_75, %dma_wait3A_112] : memref<20x128xi32, #tpu.memory_space<vmem>> -> memref<1x128xi32, #tpu.memory_space<vmem>>
        %dma_wait3A_114 = tpu.memref_squeeze %dma_wait3A_113 : memref<1x128xi32, #tpu.memory_space<vmem>> -> memref<128xi32, #tpu.memory_space<vmem>>
        %dma_wait3A_115 = arith.constant 0 : i32
        %dma_wait3A_116 = arith.constant 0 : i32
        %dma_wait3A_117 = tpu.memref_slice %arg17[%dma_wait3A_115, %dma_wait3A_116] : memref<2560x16xf32, #tpu.memory_space<vmem_shared>> -> memref<2560x16xf32, #tpu.memory_space<vmem_shared>>
        tpu.wait_indirect_dma semaphore(%run_scoped3A : memref<!tpu.dma_semaphore, #tpu.memory_space<semaphore_mem>>) src(%arg15 : memref<128x16xf32, #tpu.memory_space<vmem>>) dst(%dma_wait3A_117 : memref<2560x16xf32, #tpu.memory_space<vmem_shared>>)
        tpu.yield
      }) : () -> ()
      %add3A_90 = arith.constant 2 : i32
      %add3A_91 = arith.addi %add3A_75, %add3A_90 : i32
      %dma_start3A_92 = arith.constant 0 : i32
      %dma_start3A_93 = tpu.memref_slice %arg9[%add3A_91, %dma_start3A_92] : memref<20x128xi32, #tpu.memory_space<vmem>> -> memref<1x128xi32, #tpu.memory_space<vmem>>
      %dma_start3A_94 = tpu.memref_squeeze %dma_start3A_93 : memref<1x128xi32, #tpu.memory_space<vmem>> -> memref<128xi32, #tpu.memory_space<vmem>>
      %dma_start3A_95 = arith.constant 0 : i32
      %dma_start3A_96 = arith.constant 0 : i32
      %dma_start3A_97 = tpu.memref_slice %arg2[%dma_start3A_95, %dma_start3A_96] : memref<5000x16xf32, #tpu.memory_space<hbm>> -> memref<5000x16xf32, #tpu.memory_space<hbm>>
      tpu.enqueue_indirect_dma source(%dma_start3A_97 : memref<5000x16xf32, #tpu.memory_space<hbm>>) target(%arg11 : memref<128x16xf32, #tpu.memory_space<vmem>>) offsets(%dma_start3A_94 : memref<128xi32, #tpu.memory_space<vmem>>) semaphore(%arg13 : memref<!tpu.dma_semaphore, #tpu.memory_space<semaphore_mem>>)
      %dma_wait3A_98 = arith.constant 0 : i32
      %dma_wait3A_99 = arith.constant 0 : i32
      %dma_wait3A_100 = tpu.memref_slice %arg2[%dma_wait3A_98, %dma_wait3A_99] : memref<5000x16xf32, #tpu.memory_space<hbm>> -> memref<128x16xf32, #tpu.memory_space<hbm>>
      %dma_wait3A_101 = arith.constant 0 : i32
      %dma_wait3A_102 = arith.constant 0 : i32
      %dma_wait3A_103 = tpu.memref_slice %arg2[%dma_wait3A_101, %dma_wait3A_102] : memref<5000x16xf32, #tpu.memory_space<hbm>> -> memref<128x16xf32, #tpu.memory_space<hbm>>
      tpu.wait_dma2 semaphore(%arg14 : memref<!tpu.dma_semaphore, #tpu.memory_space<semaphore_mem>>) src(%dma_wait3A_103 : memref<128x16xf32, #tpu.memory_space<hbm>>) dst(%arg12 : memref<128x16xf32, #tpu.memory_space<vmem>>)
      %add3A_104 = arith.constant 1 : i32
      %add3A_105 = arith.addi %add3A_75, %add3A_104 : i32
      "tpu.region"() ({
        %run_scoped3A = tpu.sem_alloc : memref<!tpu.dma_semaphore, #tpu.memory_space<semaphore_mem>>
        %dma_start3A_106 = arith.constant 0 : i32
        %dma_start3A_107 = tpu.memref_slice %arg10[%add3A_105, %dma_start3A_106] : memref<20x128xi32, #tpu.memory_space<vmem>> -> memref<1x128xi32, #tpu.memory_space<vmem>>
        %dma_start3A_108 = tpu.memref_squeeze %dma_start3A_107 : memref<1x128xi32, #tpu.memory_space<vmem>> -> memref<128xi32, #tpu.memory_space<vmem>>
        %dma_start3A_109 = arith.constant 0 : i32
        %dma_start3A_110 = arith.constant 0 : i32
        %dma_start3A_111 = tpu.memref_slice %arg16[%dma_start3A_109, %dma_start3A_110] : memref<2560x16xf32, #tpu.memory_space<vmem_shared>> -> memref<2560x16xf32, #tpu.memory_space<vmem_shared>>
        tpu.enqueue_indirect_dma source(%arg12 : memref<128x16xf32, #tpu.memory_space<vmem>>) target(%dma_start3A_111 : memref<2560x16xf32, #tpu.memory_space<vmem_shared>>) offsets(%dma_start3A_108 : memref<128xi32, #tpu.memory_space<vmem>>) semaphore(%run_scoped3A : memref<!tpu.dma_semaphore, #tpu.memory_space<semaphore_mem>>) {add = true}
        %dma_wait3A_112 = arith.constant 0 : i32
        %dma_wait3A_113 = tpu.memref_slice %arg10[%add3A_105, %dma_wait3A_112] : memref<20x128xi32, #tpu.memory_space<vmem>> -> memref<1x128xi32, #tpu.memory_space<vmem>>
        %dma_wait3A_114 = tpu.memref_squeeze %dma_wait3A_113 : memref<1x128xi32, #tpu.memory_space<vmem>> -> memref<128xi32, #tpu.memory_space<vmem>>
        %dma_wait3A_115 = arith.constant 0 : i32
        %dma_wait3A_116 = arith.constant 0 : i32
        %dma_wait3A_117 = tpu.memref_slice %arg16[%dma_wait3A_115, %dma_wait3A_116] : memref<2560x16xf32, #tpu.memory_space<vmem_shared>> -> memref<2560x16xf32, #tpu.memory_space<vmem_shared>>
        tpu.wait_indirect_dma semaphore(%run_scoped3A : memref<!tpu.dma_semaphore, #tpu.memory_space<semaphore_mem>>) src(%arg12 : memref<128x16xf32, #tpu.memory_space<vmem>>) dst(%dma_wait3A_117 : memref<2560x16xf32, #tpu.memory_space<vmem_shared>>)
        tpu.yield
      }) : () -> ()
      "tpu.region"() ({
        %run_scoped3A = tpu.sem_alloc : memref<!tpu.dma_semaphore, #tpu.memory_space<semaphore_mem>>
        %dma_start3A_106 = arith.constant 0 : i32
        %dma_start3A_107 = tpu.memref_slice %arg10[%add3A_105, %dma_start3A_106] : memref<20x128xi32, #tpu.memory_space<vmem>> -> memref<1x128xi32, #tpu.memory_space<vmem>>
        %dma_start3A_108 = tpu.memref_squeeze %dma_start3A_107 : memref<1x128xi32, #tpu.memory_space<vmem>> -> memref<128xi32, #tpu.memory_space<vmem>>
        %dma_start3A_109 = arith.constant 0 : i32
        %dma_start3A_110 = arith.constant 0 : i32
        %dma_start3A_111 = tpu.memref_slice %arg17[%dma_start3A_109, %dma_start3A_110] : memref<2560x16xf32, #tpu.memory_space<vmem_shared>> -> memref<2560x16xf32, #tpu.memory_space<vmem_shared>>
        tpu.enqueue_indirect_dma source(%arg15 : memref<128x16xf32, #tpu.memory_space<vmem>>) target(%dma_start3A_111 : memref<2560x16xf32, #tpu.memory_space<vmem_shared>>) offsets(%dma_start3A_108 : memref<128xi32, #tpu.memory_space<vmem>>) semaphore(%run_scoped3A : memref<!tpu.dma_semaphore, #tpu.memory_space<semaphore_mem>>) {add = true}
        %dma_wait3A_112 = arith.constant 0 : i32
        %dma_wait3A_113 = tpu.memref_slice %arg10[%add3A_105, %dma_wait3A_112] : memref<20x128xi32, #tpu.memory_space<vmem>> -> memref<1x128xi32, #tpu.memory_space<vmem>>
        %dma_wait3A_114 = tpu.memref_squeeze %dma_wait3A_113 : memref<1x128xi32, #tpu.memory_space<vmem>> -> memref<128xi32, #tpu.memory_space<vmem>>
        %dma_wait3A_115 = arith.constant 0 : i32
        %dma_wait3A_116 = arith.constant 0 : i32
        %dma_wait3A_117 = tpu.memref_slice %arg17[%dma_wait3A_115, %dma_wait3A_116] : memref<2560x16xf32, #tpu.memory_space<vmem_shared>> -> memref<2560x16xf32, #tpu.memory_space<vmem_shared>>
        tpu.wait_indirect_dma semaphore(%run_scoped3A : memref<!tpu.dma_semaphore, #tpu.memory_space<semaphore_mem>>) src(%arg15 : memref<128x16xf32, #tpu.memory_space<vmem>>) dst(%dma_wait3A_117 : memref<2560x16xf32, #tpu.memory_space<vmem_shared>>)
        tpu.yield
      }) : () -> ()
    }
    %while3A_40 = arith.constant 1 : i32
    scf.for %while3A_73 = %while3A_38 to %while3A_34 step %while3A_40  : i32 {
      %mul3A_74 = arith.muli %while3A_73, %while3A : i32
      %add3A_75 = arith.addi %while3A_31, %mul3A_74 : i32
      %add3A_76 = arith.constant 1 : i32
      %add3A_77 = arith.addi %add3A_75, %add3A_76 : i32
      %dma_start3A_78 = arith.constant 0 : i32
      %dma_start3A_79 = tpu.memref_slice %arg9[%add3A_77, %dma_start3A_78] : memref<20x128xi32, #tpu.memory_space<vmem>> -> memref<1x128xi32, #tpu.memory_space<vmem>>
      %dma_start3A_80 = tpu.memref_squeeze %dma_start3A_79 : memref<1x128xi32, #tpu.memory_space<vmem>> -> memref<128xi32, #tpu.memory_space<vmem>>
      %dma_start3A_81 = arith.constant 0 : i32
      %dma_start3A_82 = arith.constant 0 : i32
      %dma_start3A_83 = tpu.memref_slice %arg2[%dma_start3A_81, %dma_start3A_82] : memref<5000x16xf32, #tpu.memory_space<hbm>> -> memref<5000x16xf32, #tpu.memory_space<hbm>>
      tpu.enqueue_indirect_dma source(%dma_start3A_83 : memref<5000x16xf32, #tpu.memory_space<hbm>>) target(%arg12 : memref<128x16xf32, #tpu.memory_space<vmem>>) offsets(%dma_start3A_80 : memref<128xi32, #tpu.memory_space<vmem>>) semaphore(%arg14 : memref<!tpu.dma_semaphore, #tpu.memory_space<semaphore_mem>>)
      %dma_wait3A_84 = arith.constant 0 : i32
      %dma_wait3A_85 = arith.constant 0 : i32
      %dma_wait3A_86 = tpu.memref_slice %arg2[%dma_wait3A_84, %dma_wait3A_85] : memref<5000x16xf32, #tpu.memory_space<hbm>> -> memref<128x16xf32, #tpu.memory_space<hbm>>
      %dma_wait3A_87 = arith.constant 0 : i32
      %dma_wait3A_88 = arith.constant 0 : i32
      %dma_wait3A_89 = tpu.memref_slice %arg2[%dma_wait3A_87, %dma_wait3A_88] : memref<5000x16xf32, #tpu.memory_space<hbm>> -> memref<128x16xf32, #tpu.memory_space<hbm>>
      tpu.wait_dma2 semaphore(%arg13 : memref<!tpu.dma_semaphore, #tpu.memory_space<semaphore_mem>>) src(%dma_wait3A_89 : memref<128x16xf32, #tpu.memory_space<hbm>>) dst(%arg11 : memref<128x16xf32, #tpu.memory_space<vmem>>)
      "tpu.region"() ({
        %run_scoped3A = tpu.sem_alloc : memref<!tpu.dma_semaphore, #tpu.memory_space<semaphore_mem>>
        %dma_start3A_106 = arith.constant 0 : i32
        %dma_start3A_107 = tpu.memref_slice %arg10[%add3A_75, %dma_start3A_106] : memref<20x128xi32, #tpu.memory_space<vmem>> -> memref<1x128xi32, #tpu.memory_space<vmem>>
        %dma_start3A_108 = tpu.memref_squeeze %dma_start3A_107 : memref<1x128xi32, #tpu.memory_space<vmem>> -> memref<128xi32, #tpu.memory_space<vmem>>
        %dma_start3A_109 = arith.constant 0 : i32
        %dma_start3A_110 = arith.constant 0 : i32
        %dma_start3A_111 = tpu.memref_slice %arg16[%dma_start3A_109, %dma_start3A_110] : memref<2560x16xf32, #tpu.memory_space<vmem_shared>> -> memref<2560x16xf32, #tpu.memory_space<vmem_shared>>
        tpu.enqueue_indirect_dma source(%arg11 : memref<128x16xf32, #tpu.memory_space<vmem>>) target(%dma_start3A_111 : memref<2560x16xf32, #tpu.memory_space<vmem_shared>>) offsets(%dma_start3A_108 : memref<128xi32, #tpu.memory_space<vmem>>) semaphore(%run_scoped3A : memref<!tpu.dma_semaphore, #tpu.memory_space<semaphore_mem>>) {add = true}
        %dma_wait3A_112 = arith.constant 0 : i32
        %dma_wait3A_113 = tpu.memref_slice %arg10[%add3A_75, %dma_wait3A_112] : memref<20x128xi32, #tpu.memory_space<vmem>> -> memref<1x128xi32, #tpu.memory_space<vmem>>
        %dma_wait3A_114 = tpu.memref_squeeze %dma_wait3A_113 : memref<1x128xi32, #tpu.memory_space<vmem>> -> memref<128xi32, #tpu.memory_space<vmem>>
        %dma_wait3A_115 = arith.constant 0 : i32
        %dma_wait3A_116 = arith.constant 0 : i32
        %dma_wait3A_117 = tpu.memref_slice %arg16[%dma_wait3A_115, %dma_wait3A_116] : memref<2560x16xf32, #tpu.memory_space<vmem_shared>> -> memref<2560x16xf32, #tpu.memory_space<vmem_shared>>
        tpu.wait_indirect_dma semaphore(%run_scoped3A : memref<!tpu.dma_semaphore, #tpu.memory_space<semaphore_mem>>) src(%arg11 : memref<128x16xf32, #tpu.memory_space<vmem>>) dst(%dma_wait3A_117 : memref<2560x16xf32, #tpu.memory_space<vmem_shared>>)
        tpu.yield
      }) : () -> ()
      "tpu.region"() ({
        %run_scoped3A = tpu.sem_alloc : memref<!tpu.dma_semaphore, #tpu.memory_space<semaphore_mem>>
        %dma_start3A_106 = arith.constant 0 : i32
        %dma_start3A_107 = tpu.memref_slice %arg10[%add3A_75, %dma_start3A_106] : memref<20x128xi32, #tpu.memory_space<vmem>> -> memref<1x128xi32, #tpu.memory_space<vmem>>
        %dma_start3A_108 = tpu.memref_squeeze %dma_start3A_107 : memref<1x128xi32, #tpu.memory_space<vmem>> -> memref<128xi32, #tpu.memory_space<vmem>>
        %dma_start3A_109 = arith.constant 0 : i32
        %dma_start3A_110 = arith.constant 0 : i32
        %dma_start3A_111 = tpu.memref_slice %arg17[%dma_start3A_109, %dma_start3A_110] : memref<2560x16xf32, #tpu.memory_space<vmem_shared>> -> memref<2560x16xf32, #tpu.memory_space<vmem_shared>>
        tpu.enqueue_indirect_dma source(%arg15 : memref<128x16xf32, #tpu.memory_space<vmem>>) target(%dma_start3A_111 : memref<2560x16xf32, #tpu.memory_space<vmem_shared>>) offsets(%dma_start3A_108 : memref<128xi32, #tpu.memory_space<vmem>>) semaphore(%run_scoped3A : memref<!tpu.dma_semaphore, #tpu.memory_space<semaphore_mem>>) {add = true}
        %dma_wait3A_112 = arith.constant 0 : i32
        %dma_wait3A_113 = tpu.memref_slice %arg10[%add3A_75, %dma_wait3A_112] : memref<20x128xi32, #tpu.memory_space<vmem>> -> memref<1x128xi32, #tpu.memory_space<vmem>>
        %dma_wait3A_114 = tpu.memref_squeeze %dma_wait3A_113 : memref<1x128xi32, #tpu.memory_space<vmem>> -> memref<128xi32, #tpu.memory_space<vmem>>
        %dma_wait3A_115 = arith.constant 0 : i32
        %dma_wait3A_116 = arith.constant 0 : i32
        %dma_wait3A_117 = tpu.memref_slice %arg17[%dma_wait3A_115, %dma_wait3A_116] : memref<2560x16xf32, #tpu.memory_space<vmem_shared>> -> memref<2560x16xf32, #tpu.memory_space<vmem_shared>>
        tpu.wait_indirect_dma semaphore(%run_scoped3A : memref<!tpu.dma_semaphore, #tpu.memory_space<semaphore_mem>>) src(%arg15 : memref<128x16xf32, #tpu.memory_space<vmem>>) dst(%dma_wait3A_117 : memref<2560x16xf32, #tpu.memory_space<vmem_shared>>)
        tpu.yield
      }) : () -> ()
      %add3A_90 = arith.constant 2 : i32
      %add3A_91 = arith.addi %add3A_75, %add3A_90 : i32
      %dma_start3A_92 = arith.constant 0 : i32
      %dma_start3A_93 = tpu.memref_slice %arg9[%add3A_91, %dma_start3A_92] : memref<20x128xi32, #tpu.memory_space<vmem>> -> memref<1x128xi32, #tpu.memory_space<vmem>>
      %dma_start3A_94 = tpu.memref_squeeze %dma_start3A_93 : memref<1x128xi32, #tpu.memory_space<vmem>> -> memref<128xi32, #tpu.memory_space<vmem>>
      %dma_start3A_95 = arith.constant 0 : i32
      %dma_start3A_96 = arith.constant 0 : i32
      %dma_start3A_97 = tpu.memref_slice %arg2[%dma_start3A_95, %dma_start3A_96] : memref<5000x16xf32, #tpu.memory_space<hbm>> -> memref<5000x16xf32, #tpu.memory_space<hbm>>
      tpu.enqueue_indirect_dma source(%dma_start3A_97 : memref<5000x16xf32, #tpu.memory_space<hbm>>) target(%arg11 : memref<128x16xf32, #tpu.memory_space<vmem>>) offsets(%dma_start3A_94 : memref<128xi32, #tpu.memory_space<vmem>>) semaphore(%arg13 : memref<!tpu.dma_semaphore, #tpu.memory_space<semaphore_mem>>)
      %dma_wait3A_98 = arith.constant 0 : i32
      %dma_wait3A_99 = arith.constant 0 : i32
      %dma_wait3A_100 = tpu.memref_slice %arg2[%dma_wait3A_98, %dma_wait3A_99] : memref<5000x16xf32, #tpu.memory_space<hbm>> -> memref<128x16xf32, #tpu.memory_space<hbm>>
      %dma_wait3A_101 = arith.constant 0 : i32
      %dma_wait3A_102 = arith.constant 0 : i32
      %dma_wait3A_103 = tpu.memref_slice %arg2[%dma_wait3A_101, %dma_wait3A_102] : memref<5000x16xf32, #tpu.memory_space<hbm>> -> memref<128x16xf32, #tpu.memory_space<hbm>>
      tpu.wait_dma2 semaphore(%arg14 : memref<!tpu.dma_semaphore, #tpu.memory_space<semaphore_mem>>) src(%dma_wait3A_103 : memref<128x16xf32, #tpu.memory_space<hbm>>) dst(%arg12 : memref<128x16xf32, #tpu.memory_space<vmem>>)
      %add3A_104 = arith.constant 1 : i32
      %add3A_105 = arith.addi %add3A_75, %add3A_104 : i32
      "tpu.region"() ({
        %run_scoped3A = tpu.sem_alloc : memref<!tpu.dma_semaphore, #tpu.memory_space<semaphore_mem>>
        %dma_start3A_106 = arith.constant 0 : i32
        %dma_start3A_107 = tpu.memref_slice %arg10[%add3A_105, %dma_start3A_106] : memref<20x128xi32, #tpu.memory_space<vmem>> -> memref<1x128xi32, #tpu.memory_space<vmem>>
        %dma_start3A_108 = tpu.memref_squeeze %dma_start3A_107 : memref<1x128xi32, #tpu.memory_space<vmem>> -> memref<128xi32, #tpu.memory_space<vmem>>
        %dma_start3A_109 = arith.constant 0 : i32
        %dma_start3A_110 = arith.constant 0 : i32
        %dma_start3A_111 = tpu.memref_slice %arg16[%dma_start3A_109, %dma_start3A_110] : memref<2560x16xf32, #tpu.memory_space<vmem_shared>> -> memref<2560x16xf32, #tpu.memory_space<vmem_shared>>
        tpu.enqueue_indirect_dma source(%arg12 : memref<128x16xf32, #tpu.memory_space<vmem>>) target(%dma_start3A_111 : memref<2560x16xf32, #tpu.memory_space<vmem_shared>>) offsets(%dma_start3A_108 : memref<128xi32, #tpu.memory_space<vmem>>) semaphore(%run_scoped3A : memref<!tpu.dma_semaphore, #tpu.memory_space<semaphore_mem>>) {add = true}
        %dma_wait3A_112 = arith.constant 0 : i32
        %dma_wait3A_113 = tpu.memref_slice %arg10[%add3A_105, %dma_wait3A_112] : memref<20x128xi32, #tpu.memory_space<vmem>> -> memref<1x128xi32, #tpu.memory_space<vmem>>
        %dma_wait3A_114 = tpu.memref_squeeze %dma_wait3A_113 : memref<1x128xi32, #tpu.memory_space<vmem>> -> memref<128xi32, #tpu.memory_space<vmem>>
        %dma_wait3A_115 = arith.constant 0 : i32
        %dma_wait3A_116 = arith.constant 0 : i32
        %dma_wait3A_117 = tpu.memref_slice %arg16[%dma_wait3A_115, %dma_wait3A_116] : memref<2560x16xf32, #tpu.memory_space<vmem_shared>> -> memref<2560x16xf32, #tpu.memory_space<vmem_shared>>
        tpu.wait_indirect_dma semaphore(%run_scoped3A : memref<!tpu.dma_semaphore, #tpu.memory_space<semaphore_mem>>) src(%arg12 : memref<128x16xf32, #tpu.memory_space<vmem>>) dst(%dma_wait3A_117 : memref<2560x16xf32, #tpu.memory_space<vmem_shared>>)
        tpu.yield
      }) : () -> ()
      "tpu.region"() ({
        %run_scoped3A = tpu.sem_alloc : memref<!tpu.dma_semaphore, #tpu.memory_space<semaphore_mem>>
        %dma_start3A_106 = arith.constant 0 : i32
        %dma_start3A_107 = tpu.memref_slice %arg10[%add3A_105, %dma_start3A_106] : memref<20x128xi32, #tpu.memory_space<vmem>> -> memref<1x128xi32, #tpu.memory_space<vmem>>
        %dma_start3A_108 = tpu.memref_squeeze %dma_start3A_107 : memref<1x128xi32, #tpu.memory_space<vmem>> -> memref<128xi32, #tpu.memory_space<vmem>>
        %dma_start3A_109 = arith.constant 0 : i32
        %dma_start3A_110 = arith.constant 0 : i32
        %dma_start3A_111 = tpu.memref_slice %arg17[%dma_start3A_109, %dma_start3A_110] : memref<2560x16xf32, #tpu.memory_space<vmem_shared>> -> memref<2560x16xf32, #tpu.memory_space<vmem_shared>>
        tpu.enqueue_indirect_dma source(%arg15 : memref<128x16xf32, #tpu.memory_space<vmem>>) target(%dma_start3A_111 : memref<2560x16xf32, #tpu.memory_space<vmem_shared>>) offsets(%dma_start3A_108 : memref<128xi32, #tpu.memory_space<vmem>>) semaphore(%run_scoped3A : memref<!tpu.dma_semaphore, #tpu.memory_space<semaphore_mem>>) {add = true}
        %dma_wait3A_112 = arith.constant 0 : i32
        %dma_wait3A_113 = tpu.memref_slice %arg10[%add3A_105, %dma_wait3A_112] : memref<20x128xi32, #tpu.memory_space<vmem>> -> memref<1x128xi32, #tpu.memory_space<vmem>>
        %dma_wait3A_114 = tpu.memref_squeeze %dma_wait3A_113 : memref<1x128xi32, #tpu.memory_space<vmem>> -> memref<128xi32, #tpu.memory_space<vmem>>
        %dma_wait3A_115 = arith.constant 0 : i32
        %dma_wait3A_116 = arith.constant 0 : i32
        %dma_wait3A_117 = tpu.memref_slice %arg17[%dma_wait3A_115, %dma_wait3A_116] : memref<2560x16xf32, #tpu.memory_space<vmem_shared>> -> memref<2560x16xf32, #tpu.memory_space<vmem_shared>>
        tpu.wait_indirect_dma semaphore(%run_scoped3A : memref<!tpu.dma_semaphore, #tpu.memory_space<semaphore_mem>>) src(%arg15 : memref<128x16xf32, #tpu.memory_space<vmem>>) dst(%dma_wait3A_117 : memref<2560x16xf32, #tpu.memory_space<vmem_shared>>)
        tpu.yield
      }) : () -> ()
    }
    %sub3A_41 = arith.constant 1 : i32
    %sub3A_42 = arith.subi %select_n3A, %sub3A_41 : i32
    %dma_start3A_43 = arith.constant 0 : i32
    %dma_start3A_44 = tpu.memref_slice %arg9[%sub3A_42, %dma_start3A_43] : memref<20x128xi32, #tpu.memory_space<vmem>> -> memref<1x128xi32, #tpu.memory_space<vmem>>
    %dma_start3A_45 = tpu.memref_squeeze %dma_start3A_44 : memref<1x128xi32, #tpu.memory_space<vmem>> -> memref<128xi32, #tpu.memory_space<vmem>>
    %dma_start3A_46 = arith.constant 0 : i32
    %dma_start3A_47 = arith.constant 0 : i32
    %dma_start3A_48 = tpu.memref_slice %arg2[%dma_start3A_46, %dma_start3A_47] : memref<5000x16xf32, #tpu.memory_space<hbm>> -> memref<5000x16xf32, #tpu.memory_space<hbm>>
    tpu.enqueue_indirect_dma source(%dma_start3A_48 : memref<5000x16xf32, #tpu.memory_space<hbm>>) target(%arg12 : memref<128x16xf32, #tpu.memory_space<vmem>>) offsets(%dma_start3A_45 : memref<128xi32, #tpu.memory_space<vmem>>) semaphore(%arg14 : memref<!tpu.dma_semaphore, #tpu.memory_space<semaphore_mem>>)
    %dma_wait3A = arith.constant 0 : i32
    %dma_wait3A_49 = arith.constant 0 : i32
    %dma_wait3A_50 = tpu.memref_slice %arg2[%dma_wait3A, %dma_wait3A_49] : memref<5000x16xf32, #tpu.memory_space<hbm>> -> memref<128x16xf32, #tpu.memory_space<hbm>>
    %dma_wait3A_51 = arith.constant 0 : i32
    %dma_wait3A_52 = arith.constant 0 : i32
    %dma_wait3A_53 = tpu.memref_slice %arg2[%dma_wait3A_51, %dma_wait3A_52] : memref<5000x16xf32, #tpu.memory_space<hbm>> -> memref<128x16xf32, #tpu.memory_space<hbm>>
    tpu.wait_dma2 semaphore(%arg13 : memref<!tpu.dma_semaphore, #tpu.memory_space<semaphore_mem>>) src(%dma_wait3A_53 : memref<128x16xf32, #tpu.memory_space<hbm>>) dst(%arg11 : memref<128x16xf32, #tpu.memory_space<vmem>>)
    %sub3A_54 = arith.constant 2 : i32
    %sub3A_55 = arith.subi %select_n3A, %sub3A_54 : i32
    "tpu.region"() ({
      %run_scoped3A = tpu.sem_alloc : memref<!tpu.dma_semaphore, #tpu.memory_space<semaphore_mem>>
      %dma_start3A_73 = arith.constant 0 : i32
      %dma_start3A_74 = tpu.memref_slice %arg10[%sub3A_55, %dma_start3A_73] : memref<20x128xi32, #tpu.memory_space<vmem>> -> memref<1x128xi32, #tpu.memory_space<vmem>>
      %dma_start3A_75 = tpu.memref_squeeze %dma_start3A_74 : memref<1x128xi32, #tpu.memory_space<vmem>> -> memref<128xi32, #tpu.memory_space<vmem>>
      %dma_start3A_76 = arith.constant 0 : i32
      %dma_start3A_77 = arith.constant 0 : i32
      %dma_start3A_78 = tpu.memref_slice %arg16[%dma_start3A_76, %dma_start3A_77] : memref<2560x16xf32, #tpu.memory_space<vmem_shared>> -> memref<2560x16xf32, #tpu.memory_space<vmem_shared>>
      tpu.enqueue_indirect_dma source(%arg11 : memref<128x16xf32, #tpu.memory_space<vmem>>) target(%dma_start3A_78 : memref<2560x16xf32, #tpu.memory_space<vmem_shared>>) offsets(%dma_start3A_75 : memref<128xi32, #tpu.memory_space<vmem>>) semaphore(%run_scoped3A : memref<!tpu.dma_semaphore, #tpu.memory_space<semaphore_mem>>) {add = true}
      %dma_wait3A_79 = arith.constant 0 : i32
      %dma_wait3A_80 = tpu.memref_slice %arg10[%sub3A_55, %dma_wait3A_79] : memref<20x128xi32, #tpu.memory_space<vmem>> -> memref<1x128xi32, #tpu.memory_space<vmem>>
      %dma_wait3A_81 = tpu.memref_squeeze %dma_wait3A_80 : memref<1x128xi32, #tpu.memory_space<vmem>> -> memref<128xi32, #tpu.memory_space<vmem>>
      %dma_wait3A_82 = arith.constant 0 : i32
      %dma_wait3A_83 = arith.constant 0 : i32
      %dma_wait3A_84 = tpu.memref_slice %arg16[%dma_wait3A_82, %dma_wait3A_83] : memref<2560x16xf32, #tpu.memory_space<vmem_shared>> -> memref<2560x16xf32, #tpu.memory_space<vmem_shared>>
      tpu.wait_indirect_dma semaphore(%run_scoped3A : memref<!tpu.dma_semaphore, #tpu.memory_space<semaphore_mem>>) src(%arg11 : memref<128x16xf32, #tpu.memory_space<vmem>>) dst(%dma_wait3A_84 : memref<2560x16xf32, #tpu.memory_space<vmem_shared>>)
      tpu.yield
    }) : () -> ()
    "tpu.region"() ({
      %run_scoped3A = tpu.sem_alloc : memref<!tpu.dma_semaphore, #tpu.memory_space<semaphore_mem>>
      %dma_start3A_73 = arith.constant 0 : i32
      %dma_start3A_74 = tpu.memref_slice %arg10[%sub3A_55, %dma_start3A_73] : memref<20x128xi32, #tpu.memory_space<vmem>> -> memref<1x128xi32, #tpu.memory_space<vmem>>
      %dma_start3A_75 = tpu.memref_squeeze %dma_start3A_74 : memref<1x128xi32, #tpu.memory_space<vmem>> -> memref<128xi32, #tpu.memory_space<vmem>>
      %dma_start3A_76 = arith.constant 0 : i32
      %dma_start3A_77 = arith.constant 0 : i32
      %dma_start3A_78 = tpu.memref_slice %arg17[%dma_start3A_76, %dma_start3A_77] : memref<2560x16xf32, #tpu.memory_space<vmem_shared>> -> memref<2560x16xf32, #tpu.memory_space<vmem_shared>>
      tpu.enqueue_indirect_dma source(%arg15 : memref<128x16xf32, #tpu.memory_space<vmem>>) target(%dma_start3A_78 : memref<2560x16xf32, #tpu.memory_space<vmem_shared>>) offsets(%dma_start3A_75 : memref<128xi32, #tpu.memory_space<vmem>>) semaphore(%run_scoped3A : memref<!tpu.dma_semaphore, #tpu.memory_space<semaphore_mem>>) {add = true}
      %dma_wait3A_79 = arith.constant 0 : i32
      %dma_wait3A_80 = tpu.memref_slice %arg10[%sub3A_55, %dma_wait3A_79] : memref<20x128xi32, #tpu.memory_space<vmem>> -> memref<1x128xi32, #tpu.memory_space<vmem>>
      %dma_wait3A_81 = tpu.memref_squeeze %dma_wait3A_80 : memref<1x128xi32, #tpu.memory_space<vmem>> -> memref<128xi32, #tpu.memory_space<vmem>>
      %dma_wait3A_82 = arith.constant 0 : i32
      %dma_wait3A_83 = arith.constant 0 : i32
      %dma_wait3A_84 = tpu.memref_slice %arg17[%dma_wait3A_82, %dma_wait3A_83] : memref<2560x16xf32, #tpu.memory_space<vmem_shared>> -> memref<2560x16xf32, #tpu.memory_space<vmem_shared>>
      tpu.wait_indirect_dma semaphore(%run_scoped3A : memref<!tpu.dma_semaphore, #tpu.memory_space<semaphore_mem>>) src(%arg15 : memref<128x16xf32, #tpu.memory_space<vmem>>) dst(%dma_wait3A_84 : memref<2560x16xf32, #tpu.memory_space<vmem_shared>>)
      tpu.yield
    }) : () -> ()
    %dma_wait3A_56 = arith.constant 0 : i32
    %dma_wait3A_57 = arith.constant 0 : i32
    %dma_wait3A_58 = tpu.memref_slice %arg2[%dma_wait3A_56, %dma_wait3A_57] : memref<5000x16xf32, #tpu.memory_space<hbm>> -> memref<128x16xf32, #tpu.memory_space<hbm>>
    %dma_wait3A_59 = arith.constant 0 : i32
    %dma_wait3A_60 = arith.constant 0 : i32
    %dma_wait3A_61 = tpu.memref_slice %arg2[%dma_wait3A_59, %dma_wait3A_60] : memref<5000x16xf32, #tpu.memory_space<hbm>> -> memref<128x16xf32, #tpu.memory_space<hbm>>
    tpu.wait_dma2 semaphore(%arg14 : memref<!tpu.dma_semaphore, #tpu.memory_space<semaphore_mem>>) src(%dma_wait3A_61 : memref<128x16xf32, #tpu.memory_space<hbm>>) dst(%arg12 : memref<128x16xf32, #tpu.memory_space<vmem>>)
    %sub3A_62 = arith.constant 1 : i32
    %sub3A_63 = arith.subi %select_n3A, %sub3A_62 : i32
    "tpu.region"() ({
      %run_scoped3A = tpu.sem_alloc : memref<!tpu.dma_semaphore, #tpu.memory_space<semaphore_mem>>
      %dma_start3A_73 = arith.constant 0 : i32
      %dma_start3A_74 = tpu.memref_slice %arg10[%sub3A_63, %dma_start3A_73] : memref<20x128xi32, #tpu.memory_space<vmem>> -> memref<1x128xi32, #tpu.memory_space<vmem>>
      %dma_start3A_75 = tpu.memref_squeeze %dma_start3A_74 : memref<1x128xi32, #tpu.memory_space<vmem>> -> memref<128xi32, #tpu.memory_space<vmem>>
      %dma_start3A_76 = arith.constant 0 : i32
      %dma_start3A_77 = arith.constant 0 : i32
      %dma_start3A_78 = tpu.memref_slice %arg16[%dma_start3A_76, %dma_start3A_77] : memref<2560x16xf32, #tpu.memory_space<vmem_shared>> -> memref<2560x16xf32, #tpu.memory_space<vmem_shared>>
      tpu.enqueue_indirect_dma source(%arg12 : memref<128x16xf32, #tpu.memory_space<vmem>>) target(%dma_start3A_78 : memref<2560x16xf32, #tpu.memory_space<vmem_shared>>) offsets(%dma_start3A_75 : memref<128xi32, #tpu.memory_space<vmem>>) semaphore(%run_scoped3A : memref<!tpu.dma_semaphore, #tpu.memory_space<semaphore_mem>>) {add = true}
      %dma_wait3A_79 = arith.constant 0 : i32
      %dma_wait3A_80 = tpu.memref_slice %arg10[%sub3A_63, %dma_wait3A_79] : memref<20x128xi32, #tpu.memory_space<vmem>> -> memref<1x128xi32, #tpu.memory_space<vmem>>
      %dma_wait3A_81 = tpu.memref_squeeze %dma_wait3A_80 : memref<1x128xi32, #tpu.memory_space<vmem>> -> memref<128xi32, #tpu.memory_space<vmem>>
      %dma_wait3A_82 = arith.constant 0 : i32
      %dma_wait3A_83 = arith.constant 0 : i32
      %dma_wait3A_84 = tpu.memref_slice %arg16[%dma_wait3A_82, %dma_wait3A_83] : memref<2560x16xf32, #tpu.memory_space<vmem_shared>> -> memref<2560x16xf32, #tpu.memory_space<vmem_shared>>
      tpu.wait_indirect_dma semaphore(%run_scoped3A : memref<!tpu.dma_semaphore, #tpu.memory_space<semaphore_mem>>) src(%arg12 : memref<128x16xf32, #tpu.memory_space<vmem>>) dst(%dma_wait3A_84 : memref<2560x16xf32, #tpu.memory_space<vmem_shared>>)
      tpu.yield
    }) : () -> ()
    "tpu.region"() ({
      %run_scoped3A = tpu.sem_alloc : memref<!tpu.dma_semaphore, #tpu.memory_space<semaphore_mem>>
      %dma_start3A_73 = arith.constant 0 : i32
      %dma_start3A_74 = tpu.memref_slice %arg10[%sub3A_63, %dma_start3A_73] : memref<20x128xi32, #tpu.memory_space<vmem>> -> memref<1x128xi32, #tpu.memory_space<vmem>>
      %dma_start3A_75 = tpu.memref_squeeze %dma_start3A_74 : memref<1x128xi32, #tpu.memory_space<vmem>> -> memref<128xi32, #tpu.memory_space<vmem>>
      %dma_start3A_76 = arith.constant 0 : i32
      %dma_start3A_77 = arith.constant 0 : i32
      %dma_start3A_78 = tpu.memref_slice %arg17[%dma_start3A_76, %dma_start3A_77] : memref<2560x16xf32, #tpu.memory_space<vmem_shared>> -> memref<2560x16xf32, #tpu.memory_space<vmem_shared>>
      tpu.enqueue_indirect_dma source(%arg15 : memref<128x16xf32, #tpu.memory_space<vmem>>) target(%dma_start3A_78 : memref<2560x16xf32, #tpu.memory_space<vmem_shared>>) offsets(%dma_start3A_75 : memref<128xi32, #tpu.memory_space<vmem>>) semaphore(%run_scoped3A : memref<!tpu.dma_semaphore, #tpu.memory_space<semaphore_mem>>) {add = true}
      %dma_wait3A_79 = arith.constant 0 : i32
      %dma_wait3A_80 = tpu.memref_slice %arg10[%sub3A_63, %dma_wait3A_79] : memref<20x128xi32, #tpu.memory_space<vmem>> -> memref<1x128xi32, #tpu.memory_space<vmem>>
      %dma_wait3A_81 = tpu.memref_squeeze %dma_wait3A_80 : memref<1x128xi32, #tpu.memory_space<vmem>> -> memref<128xi32, #tpu.memory_space<vmem>>
      %dma_wait3A_82 = arith.constant 0 : i32
      %dma_wait3A_83 = arith.constant 0 : i32
      %dma_wait3A_84 = tpu.memref_slice %arg17[%dma_wait3A_82, %dma_wait3A_83] : memref<2560x16xf32, #tpu.memory_space<vmem_shared>> -> memref<2560x16xf32, #tpu.memory_space<vmem_shared>>
      tpu.wait_indirect_dma semaphore(%run_scoped3A : memref<!tpu.dma_semaphore, #tpu.memory_space<semaphore_mem>>) src(%arg15 : memref<128x16xf32, #tpu.memory_space<vmem>>) dst(%dma_wait3A_84 : memref<2560x16xf32, #tpu.memory_space<vmem_shared>>)
      tpu.yield
    }) : () -> ()
    %barrier3A_64 = arith.constant 0 : index
    tpu.barrier barrier_id(%barrier3A_64)
    %mul3A_65 = arith.constant 160 : i32
    %mul3A_66 = arith.muli %arg1, %mul3A_65 : i32
    %mul3A_67 = arith.constant 160 : i32
    %mul3A_68 = arith.muli %arg1, %mul3A_67 : i32
    "tpu.region"() ({
      %run_scoped3A = tpu.sem_alloc : memref<!tpu.dma_semaphore, #tpu.memory_space<semaphore_mem>>
      %dma_start3A_73 = arith.constant 0 : i32
      %dma_start3A_74 = arith.constant 0 : i32
      %dma_start3A_75 = tpu.memref_slice %arg7[%arg0, %dma_start3A_73, %dma_start3A_74] : memref<2x2560x16xf32, #tpu.memory_space<hbm>> -> memref<1x2560x16xf32, #tpu.memory_space<hbm>>
      %dma_start3A_76 = tpu.memref_squeeze %dma_start3A_75 : memref<1x2560x16xf32, #tpu.memory_space<hbm>> -> memref<2560x16xf32, #tpu.memory_space<hbm>>
      %dma_start3A_77 = arith.constant 0 : i32
      %dma_start3A_78 = tpu.memref_slice %dma_start3A_76[%mul3A_68, %dma_start3A_77] : memref<2560x16xf32, #tpu.memory_space<hbm>> -> memref<160x16xf32, #tpu.memory_space<hbm>>
      %dma_start3A_79 = arith.constant 0 : i32
      %dma_start3A_80 = tpu.memref_slice %arg16[%mul3A_66, %dma_start3A_79] : memref<2560x16xf32, #tpu.memory_space<vmem_shared>> -> memref<160x16xf32, #tpu.memory_space<vmem_shared>>
      tpu.enqueue_dma source(%dma_start3A_80 : memref<160x16xf32, #tpu.memory_space<vmem_shared>>) target(%dma_start3A_78 : memref<160x16xf32, #tpu.memory_space<hbm>>) target_semaphore(%run_scoped3A : memref<!tpu.dma_semaphore, #tpu.memory_space<semaphore_mem>>)
      %dma_wait3A_81 = arith.constant 0 : i32
      %dma_wait3A_82 = arith.constant 0 : i32
      %dma_wait3A_83 = tpu.memref_slice %arg7[%arg0, %dma_wait3A_81, %dma_wait3A_82] : memref<2x2560x16xf32, #tpu.memory_space<hbm>> -> memref<1x2560x16xf32, #tpu.memory_space<hbm>>
      %dma_wait3A_84 = tpu.memref_squeeze %dma_wait3A_83 : memref<1x2560x16xf32, #tpu.memory_space<hbm>> -> memref<2560x16xf32, #tpu.memory_space<hbm>>
      %dma_wait3A_85 = arith.constant 0 : i32
      %dma_wait3A_86 = tpu.memref_slice %dma_wait3A_84[%mul3A_68, %dma_wait3A_85] : memref<2560x16xf32, #tpu.memory_space<hbm>> -> memref<160x16xf32, #tpu.memory_space<hbm>>
      %dma_wait3A_87 = arith.constant 0 : i32
      %dma_wait3A_88 = tpu.memref_slice %arg16[%mul3A_66, %dma_wait3A_87] : memref<2560x16xf32, #tpu.memory_space<vmem_shared>> -> memref<160x16xf32, #tpu.memory_space<vmem_shared>>
      tpu.wait_dma2 semaphore(%run_scoped3A : memref<!tpu.dma_semaphore, #tpu.memory_space<semaphore_mem>>) src(%dma_wait3A_88 : memref<160x16xf32, #tpu.memory_space<vmem_shared>>) dst(%dma_wait3A_86 : memref<160x16xf32, #tpu.memory_space<hbm>>)
      tpu.yield
    }) : () -> ()
    %mul3A_69 = arith.constant 160 : i32
    %mul3A_70 = arith.muli %arg1, %mul3A_69 : i32
    %mul3A_71 = arith.constant 160 : i32
    %mul3A_72 = arith.muli %arg1, %mul3A_71 : i32
    "tpu.region"() ({
      %run_scoped3A = tpu.sem_alloc : memref<!tpu.dma_semaphore, #tpu.memory_space<semaphore_mem>>
      %dma_start3A_73 = arith.constant 0 : i32
      %dma_start3A_74 = arith.constant 0 : i32
      %dma_start3A_75 = tpu.memref_slice %arg8[%arg0, %dma_start3A_73, %dma_start3A_74] : memref<2x2560x16xf32, #tpu.memory_space<hbm>> -> memref<1x2560x16xf32, #tpu.memory_space<hbm>>
      %dma_start3A_76 = tpu.memref_squeeze %dma_start3A_75 : memref<1x2560x16xf32, #tpu.memory_space<hbm>> -> memref<2560x16xf32, #tpu.memory_space<hbm>>
      %dma_start3A_77 = arith.constant 0 : i32
      %dma_start3A_78 = tpu.memref_slice %dma_start3A_76[%mul3A_72, %dma_start3A_77] : memref<2560x16xf32, #tpu.memory_space<hbm>> -> memref<160x16xf32, #tpu.memory_space<hbm>>
      %dma_start3A_79 = arith.constant 0 : i32
      %dma_start3A_80 = tpu.memref_slice %arg17[%mul3A_70, %dma_start3A_79] : memref<2560x16xf32, #tpu.memory_space<vmem_shared>> -> memref<160x16xf32, #tpu.memory_space<vmem_shared>>
      tpu.enqueue_dma source(%dma_start3A_80 : memref<160x16xf32, #tpu.memory_space<vmem_shared>>) target(%dma_start3A_78 : memref<160x16xf32, #tpu.memory_space<hbm>>) target_semaphore(%run_scoped3A : memref<!tpu.dma_semaphore, #tpu.memory_space<semaphore_mem>>)
      %dma_wait3A_81 = arith.constant 0 : i32
      %dma_wait3A_82 = arith.constant 0 : i32
      %dma_wait3A_83 = tpu.memref_slice %arg8[%arg0, %dma_wait3A_81, %dma_wait3A_82] : memref<2x2560x16xf32, #tpu.memory_space<hbm>> -> memref<1x2560x16xf32, #tpu.memory_space<hbm>>
      %dma_wait3A_84 = tpu.memref_squeeze %dma_wait3A_83 : memref<1x2560x16xf32, #tpu.memory_space<hbm>> -> memref<2560x16xf32, #tpu.memory_space<hbm>>
      %dma_wait3A_85 = arith.constant 0 : i32
      %dma_wait3A_86 = tpu.memref_slice %dma_wait3A_84[%mul3A_72, %dma_wait3A_85] : memref<2560x16xf32, #tpu.memory_space<hbm>> -> memref<160x16xf32, #tpu.memory_space<hbm>>
      %dma_wait3A_87 = arith.constant 0 : i32
      %dma_wait3A_88 = tpu.memref_slice %arg17[%mul3A_70, %dma_wait3A_87] : memref<2560x16xf32, #tpu.memory_space<vmem_shared>> -> memref<160x16xf32, #tpu.memory_space<vmem_shared>>
      tpu.wait_dma2 semaphore(%run_scoped3A : memref<!tpu.dma_semaphore, #tpu.memory_space<semaphore_mem>>) src(%dma_wait3A_88 : memref<160x16xf32, #tpu.memory_space<vmem_shared>>) dst(%dma_wait3A_86 : memref<160x16xf32, #tpu.memory_space<hbm>>)
      tpu.yield
    }) : () -> ()
    return
  }
}

module attributes {stable_mosaic.version = 14 : i64} {
  func.func @_mid_body(%arg0: i32, %arg1: memref<1000x256xf32, #tpu.memory_space<vmem>>, %arg2: memref<2x1000x256xbf16, #tpu.memory_space<vmem>>, %arg3: memref<2x1000x16xf32, #tpu.memory_space<vmem>>, %arg4: memref<256x512xf32, #tpu.memory_space<vmem>>, %arg5: memref<1x256xf32, #tpu.memory_space<vmem>>, %arg6: memref<16x512xf32, #tpu.memory_space<vmem>>, %arg7: memref<1000x16xf32, #tpu.memory_space<vmem>>, %arg8: memref<1000x16xf32, #tpu.memory_space<vmem>>) attributes {dimension_semantics = [#tpu.dimension_semantics<arbitrary>], iteration_bounds = array<i64: 5>, scalar_prefetch = 0 : i64, scratch_operands = 0 : i64, tpu.core_type = #tpu.core_type<tc>, window_params = [{transform_indices = @transform_0, window_bounds = array<i64: 1000, 256>}, {transform_indices = @transform_1, window_bounds = array<i64: 2, 1000, 256>}, {transform_indices = @transform_2, window_bounds = array<i64: 2, 1000, 16>}, {pipeline_mode = #tpu.pipeline_mode<synchronous>, transform_indices = @transform_3, window_bounds = array<i64: 256, 512>}, {pipeline_mode = #tpu.pipeline_mode<synchronous>, transform_indices = @transform_4, window_bounds = array<i64: 1, 256>}, {pipeline_mode = #tpu.pipeline_mode<synchronous>, transform_indices = @transform_5, window_bounds = array<i64: 16, 512>}, {transform_indices = @transform_6, window_bounds = array<i64: 1000, 16>}, {transform_indices = @transform_7, window_bounds = array<i64: 1000, 16>}]} {
    %get3A = arith.constant 0 : index
    %get3A_0 = arith.constant 0 : index
    %get3A_1 = vector.load %arg1[%get3A, %get3A_0] : memref<1000x256xf32, #tpu.memory_space<vmem>>, vector<1000x256xf32>
    %get3A_2 = arith.constant 0 : index
    %get3A_3 = arith.constant 0 : index
    %get3A_4 = arith.constant 0 : index
    %get3A_5 = vector.load %arg2[%get3A_2, %get3A_3, %get3A_4] : memref<2x1000x256xbf16, #tpu.memory_space<vmem>>, vector<1x1000x256xbf16>
    %get3A_6 = vector.shape_cast %get3A_5 : vector<1x1000x256xbf16> to vector<1000x256xbf16>
    %convert_element_type3A = arith.extf %get3A_6 : vector<1000x256xbf16> to vector<1000x256xf32>
    %get3A_7 = arith.constant 1 : index
    %get3A_8 = arith.constant 0 : index
    %get3A_9 = arith.constant 0 : index
    %get3A_10 = vector.load %arg2[%get3A_7, %get3A_8, %get3A_9] : memref<2x1000x256xbf16, #tpu.memory_space<vmem>>, vector<1x1000x256xbf16>
    %get3A_11 = vector.shape_cast %get3A_10 : vector<1x1000x256xbf16> to vector<1000x256xbf16>
    %convert_element_type3A_12 = arith.extf %get3A_11 : vector<1000x256xbf16> to vector<1000x256xf32>
    %add3A = arith.addf %convert_element_type3A, %convert_element_type3A_12 : vector<1000x256xf32>
    %get3A_13 = arith.constant 0 : index
    %get3A_14 = arith.constant 0 : index
    %get3A_15 = arith.constant 0 : index
    %get3A_16 = vector.load %arg3[%get3A_13, %get3A_14, %get3A_15] : memref<2x1000x16xf32, #tpu.memory_space<vmem>>, vector<1x1000x16xf32>
    %get3A_17 = vector.shape_cast %get3A_16 : vector<1x1000x16xf32> to vector<1000x16xf32>
    %slice3A = vector.extract_strided_slice %get3A_17 {offsets = [0, 0], sizes = [1000, 1], strides = [1, 1]} : vector<1000x16xf32> to vector<1000x1xf32>
    %get3A_18 = arith.constant 1 : index
    %get3A_19 = arith.constant 0 : index
    %get3A_20 = arith.constant 0 : index
    %get3A_21 = vector.load %arg3[%get3A_18, %get3A_19, %get3A_20] : memref<2x1000x16xf32, #tpu.memory_space<vmem>>, vector<1x1000x16xf32>
    %get3A_22 = vector.shape_cast %get3A_21 : vector<1x1000x16xf32> to vector<1000x16xf32>
    %slice3A_23 = vector.extract_strided_slice %get3A_22 {offsets = [0, 0], sizes = [1000, 1], strides = [1, 1]} : vector<1000x16xf32> to vector<1000x1xf32>
    %add3A_24 = arith.addf %slice3A, %slice3A_23 : vector<1000x1xf32>
    %max3A = arith.constant 1.000000e+00 : f32
    %max3A_25 = vector.broadcast %max3A : f32 to vector<1000x1xf32>
    %max3A_26 = arith.maximumf %add3A_24, %max3A_25 : vector<1000x1xf32>
    %div3A = vector.broadcast %max3A_26 : vector<1000x1xf32> to vector<1000x256xf32>
    %div3A_27 = arith.divf %add3A, %div3A : vector<1000x256xf32>
    %get3A_28 = arith.constant 0 : index
    %get3A_29 = arith.constant 0 : index
    %get3A_30 = vector.load %arg4[%get3A_28, %get3A_29] : memref<256x512xf32, #tpu.memory_space<vmem>>, vector<256x512xf32>
    %slice3A_31 = vector.extract_strided_slice %get3A_30 {offsets = [0, 0], sizes = [256, 256], strides = [1, 1]} : vector<256x512xf32> to vector<256x256xf32>
    %dot_general3A = arith.constant dense<0.000000e+00> : vector<1000x256xf32>
    %dot_general3A_32 = tpu.matmul %get3A_1, %slice3A_31, %dot_general3A {dimension_numbers = #tpu.dot_dimension_numbers<[1], [1], [0], [0], [0, 0, 1, 0], [], []>, transpose_lhs_hint = false} : vector<1000x256xf32>, vector<256x256xf32>, vector<1000x256xf32> -> vector<1000x256xf32>
    %slice3A_33 = vector.extract_strided_slice %get3A_30 {offsets = [0, 256], sizes = [256, 256], strides = [1, 1]} : vector<256x512xf32> to vector<256x256xf32>
    %dot_general3A_34 = arith.constant dense<0.000000e+00> : vector<1000x256xf32>
    %dot_general3A_35 = tpu.matmul %div3A_27, %slice3A_33, %dot_general3A_34 {dimension_numbers = #tpu.dot_dimension_numbers<[1], [1], [0], [0], [0, 0, 1, 0], [], []>, transpose_lhs_hint = false} : vector<1000x256xf32>, vector<256x256xf32>, vector<1000x256xf32> -> vector<1000x256xf32>
    %add3A_36 = arith.addf %dot_general3A_32, %dot_general3A_35 : vector<1000x256xf32>
    %get3A_37 = arith.constant 0 : index
    %get3A_38 = arith.constant 0 : index
    %get3A_39 = vector.load %arg5[%get3A_37, %get3A_38] : memref<1x256xf32, #tpu.memory_space<vmem>>, vector<1x256xf32>
    %add3A_40 = vector.broadcast %get3A_39 : vector<1x256xf32> to vector<1000x256xf32>
    %add3A_41 = arith.addf %add3A_36, %add3A_40 : vector<1000x256xf32>
    %max3A_42 = arith.constant 0.000000e+00 : f32
    %max3A_43 = vector.broadcast %max3A_42 : f32 to vector<1000x256xf32>
    %max3A_44 = arith.maximumf %add3A_41, %max3A_43 : vector<1000x256xf32>
    %get3A_45 = arith.constant 0 : index
    %get3A_46 = arith.constant 0 : index
    %get3A_47 = vector.load %arg6[%get3A_45, %get3A_46] : memref<16x512xf32, #tpu.memory_space<vmem>>, vector<16x512xf32>
    %slice3A_48 = vector.extract_strided_slice %get3A_47 {offsets = [0, 256], sizes = [16, 256], strides = [1, 1]} : vector<16x512xf32> to vector<16x256xf32>
    %dot_general3A_49 = arith.constant dense<0.000000e+00> : vector<1000x16xf32>
    %dot_general3A_50 = tpu.matmul %max3A_44, %slice3A_48, %dot_general3A_49 {dimension_numbers = #tpu.dot_dimension_numbers<[1], [1], [0], [0], [0, 0, 1, 0], [], []>, transpose_lhs_hint = false} : vector<1000x256xf32>, vector<16x256xf32>, vector<1000x16xf32> -> vector<1000x16xf32>
    %swap3A = arith.constant 0 : index
    %swap3A_51 = arith.constant 0 : index
    %swap3A_52 = vector.load %arg7[%swap3A, %swap3A_51] : memref<1000x16xf32, #tpu.memory_space<vmem>>, vector<1000x16xf32>
    tpu.vector_store %arg7[%swap3A, %swap3A_51], %dot_general3A_50 {strides = array<i32>} : memref<1000x16xf32, #tpu.memory_space<vmem>>, vector<1000x16xf32>,
    %slice3A_53 = vector.extract_strided_slice %get3A_47 {offsets = [0, 0], sizes = [16, 256], strides = [1, 1]} : vector<16x512xf32> to vector<16x256xf32>
    %dot_general3A_54 = arith.constant dense<0.000000e+00> : vector<1000x16xf32>
    %dot_general3A_55 = tpu.matmul %max3A_44, %slice3A_53, %dot_general3A_54 {dimension_numbers = #tpu.dot_dimension_numbers<[1], [1], [0], [0], [0, 0, 1, 0], [], []>, transpose_lhs_hint = false} : vector<1000x256xf32>, vector<16x256xf32>, vector<1000x16xf32> -> vector<1000x16xf32>
    %swap3A_56 = arith.constant 0 : index
    %swap3A_57 = arith.constant 0 : index
    %swap3A_58 = vector.load %arg8[%swap3A_56, %swap3A_57] : memref<1000x16xf32, #tpu.memory_space<vmem>>, vector<1000x16xf32>
    tpu.vector_store %arg8[%swap3A_56, %swap3A_57], %dot_general3A_55 {strides = array<i32>} : memref<1000x16xf32, #tpu.memory_space<vmem>>, vector<1000x16xf32>,
    return
  }
  func.func @transform_0(%arg0: i32) -> (i32, i32) {
    %c0_i32 = arith.constant 0 : i32
    %c0_i32_0 = arith.constant 0 : i32
    return %arg0, %c0_i32 : i32, i32
  }
  func.func @transform_1(%arg0: i32) -> (i32, i32, i32) {
    %c0_i32 = arith.constant 0 : i32
    %c0_i32_0 = arith.constant 0 : i32
    %c0_i32_1 = arith.constant 0 : i32
    return %c0_i32, %arg0, %c0_i32_0 : i32, i32, i32
  }
  func.func @transform_2(%arg0: i32) -> (i32, i32, i32) {
    %c0_i32 = arith.constant 0 : i32
    %c0_i32_0 = arith.constant 0 : i32
    %c0_i32_1 = arith.constant 0 : i32
    return %c0_i32, %arg0, %c0_i32_0 : i32, i32, i32
  }
  func.func @transform_3(%arg0: i32) -> (i32, i32) {
    %c0_i32 = arith.constant 0 : i32
    %c0_i32_0 = arith.constant 0 : i32
    %c0_i32_1 = arith.constant 0 : i32
    return %c0_i32, %c0_i32_0 : i32, i32
  }
  func.func @transform_4(%arg0: i32) -> (i32, i32) {
    %c0_i32 = arith.constant 0 : i32
    %c0_i32_0 = arith.constant 0 : i32
    %c0_i32_1 = arith.constant 0 : i32
    return %c0_i32, %c0_i32_0 : i32, i32
  }
  func.func @transform_5(%arg0: i32) -> (i32, i32) {
    %c0_i32 = arith.constant 0 : i32
    %c0_i32_0 = arith.constant 0 : i32
    %c0_i32_1 = arith.constant 0 : i32
    return %c0_i32, %c0_i32_0 : i32, i32
  }
  func.func @transform_6(%arg0: i32) -> (i32, i32) {
    %c0_i32 = arith.constant 0 : i32
    %c0_i32_0 = arith.constant 0 : i32
    return %arg0, %c0_i32 : i32, i32
  }
  func.func @transform_7(%arg0: i32) -> (i32, i32) {
    %c0_i32 = arith.constant 0 : i32
    %c0_i32_0 = arith.constant 0 : i32
    return %arg0, %c0_i32 : i32, i32
  }
}

module attributes {stable_mosaic.version = 14 : i64} {
  func.func @_tail_body(%arg0: memref<2x2560x16xf32, #tpu.memory_space<vmem>>, %arg1: memref<2x2560x16xf32, #tpu.memory_space<vmem>>, %arg2: memref<2500x16xf32, #tpu.memory_space<vmem>>, %arg3: memref<1x16xf32, #tpu.memory_space<vmem>>, %arg4: memref<2x16xf32, #tpu.memory_space<vmem>>, %arg5: memref<1x2xf32, #tpu.memory_space<vmem>>, %arg6: memref<2500x2xf32, #tpu.memory_space<vmem>>) attributes {dimension_semantics = [], scalar_prefetch = 0 : i64, scratch_operands = 0 : i64, tpu.core_type = #tpu.core_type<tc>} {
    %get3A = arith.constant 0 : index
    %get3A_0 = arith.constant 0 : index
    %get3A_1 = arith.constant 0 : index
    %get3A_2 = vector.load %arg0[%get3A, %get3A_0, %get3A_1] : memref<2x2560x16xf32, #tpu.memory_space<vmem>>, vector<1x2560x16xf32>
    %get3A_3 = vector.shape_cast %get3A_2 : vector<1x2560x16xf32> to vector<2560x16xf32>
    %slice3A = vector.extract_strided_slice %get3A_3 {offsets = [0, 0], sizes = [2500, 16], strides = [1, 1]} : vector<2560x16xf32> to vector<2500x16xf32>
    %get3A_4 = arith.constant 1 : index
    %get3A_5 = arith.constant 0 : index
    %get3A_6 = arith.constant 0 : index
    %get3A_7 = vector.load %arg0[%get3A_4, %get3A_5, %get3A_6] : memref<2x2560x16xf32, #tpu.memory_space<vmem>>, vector<1x2560x16xf32>
    %get3A_8 = vector.shape_cast %get3A_7 : vector<1x2560x16xf32> to vector<2560x16xf32>
    %slice3A_9 = vector.extract_strided_slice %get3A_8 {offsets = [0, 0], sizes = [2500, 16], strides = [1, 1]} : vector<2560x16xf32> to vector<2500x16xf32>
    %add3A = arith.addf %slice3A, %slice3A_9 : vector<2500x16xf32>
    %get3A_10 = arith.constant 0 : index
    %get3A_11 = arith.constant 0 : index
    %get3A_12 = arith.constant 0 : index
    %get3A_13 = vector.load %arg1[%get3A_10, %get3A_11, %get3A_12] : memref<2x2560x16xf32, #tpu.memory_space<vmem>>, vector<1x2560x16xf32>
    %get3A_14 = vector.shape_cast %get3A_13 : vector<1x2560x16xf32> to vector<2560x16xf32>
    %slice3A_15 = vector.extract_strided_slice %get3A_14 {offsets = [0, 0], sizes = [2500, 1], strides = [1, 1]} : vector<2560x16xf32> to vector<2500x1xf32>
    %get3A_16 = arith.constant 1 : index
    %get3A_17 = arith.constant 0 : index
    %get3A_18 = arith.constant 0 : index
    %get3A_19 = vector.load %arg1[%get3A_16, %get3A_17, %get3A_18] : memref<2x2560x16xf32, #tpu.memory_space<vmem>>, vector<1x2560x16xf32>
    %get3A_20 = vector.shape_cast %get3A_19 : vector<1x2560x16xf32> to vector<2560x16xf32>
    %slice3A_21 = vector.extract_strided_slice %get3A_20 {offsets = [0, 0], sizes = [2500, 1], strides = [1, 1]} : vector<2560x16xf32> to vector<2500x1xf32>
    %add3A_22 = arith.addf %slice3A_15, %slice3A_21 : vector<2500x1xf32>
    %get3A_23 = arith.constant 0 : index
    %get3A_24 = arith.constant 0 : index
    %get3A_25 = vector.load %arg2[%get3A_23, %get3A_24] : memref<2500x16xf32, #tpu.memory_space<vmem>>, vector<2500x16xf32>
    %max3A = arith.constant 1.000000e+00 : f32
    %max3A_26 = vector.broadcast %max3A : f32 to vector<2500x1xf32>
    %max3A_27 = arith.maximumf %add3A_22, %max3A_26 : vector<2500x1xf32>
    %div3A = vector.broadcast %max3A_27 : vector<2500x1xf32> to vector<2500x16xf32>
    %div3A_28 = arith.divf %add3A, %div3A : vector<2500x16xf32>
    %add3A_29 = arith.addf %get3A_25, %div3A_28 : vector<2500x16xf32>
    %get3A_30 = arith.constant 0 : index
    %get3A_31 = arith.constant 0 : index
    %get3A_32 = vector.load %arg3[%get3A_30, %get3A_31] : memref<1x16xf32, #tpu.memory_space<vmem>>, vector<1x16xf32>
    %add3A_33 = vector.broadcast %get3A_32 : vector<1x16xf32> to vector<2500x16xf32>
    %add3A_34 = arith.addf %add3A_29, %add3A_33 : vector<2500x16xf32>
    %get3A_35 = arith.constant 0 : index
    %get3A_36 = arith.constant 0 : index
    %get3A_37 = vector.load %arg4[%get3A_35, %get3A_36] : memref<2x16xf32, #tpu.memory_space<vmem>>, vector<2x16xf32>
    %dot_general3A = arith.constant dense<0.000000e+00> : vector<2500x2xf32>
    %dot_general3A_38 = tpu.matmul %add3A_34, %get3A_37, %dot_general3A {dimension_numbers = #tpu.dot_dimension_numbers<[1], [1], [0], [0], [0, 0, 1, 0], [], []>, transpose_lhs_hint = false} : vector<2500x16xf32>, vector<2x16xf32>, vector<2500x2xf32> -> vector<2500x2xf32>
    %get3A_39 = arith.constant 0 : index
    %get3A_40 = arith.constant 0 : index
    %get3A_41 = vector.load %arg5[%get3A_39, %get3A_40] : memref<1x2xf32, #tpu.memory_space<vmem>>, vector<1x2xf32>
    %add3A_42 = vector.broadcast %get3A_41 : vector<1x2xf32> to vector<2500x2xf32>
    %add3A_43 = arith.addf %dot_general3A_38, %add3A_42 : vector<2500x2xf32>
    %max3A_44 = arith.constant 0.000000e+00 : f32
    %max3A_45 = vector.broadcast %max3A_44 : f32 to vector<2500x2xf32>
    %max3A_46 = arith.maximumf %add3A_43, %max3A_45 : vector<2500x2xf32>
    %reduce_max3A = arith.constant dense<0xFF800000> : vector<2500xf32>
    %reduce_max3A_47 = vector.multi_reduction <maximumf>, %max3A_46, %reduce_max3A [1] : vector<2500x2xf32> to vector<2500xf32>
    %broadcast_in_dim3A = vector.shape_cast %reduce_max3A_47 : vector<2500xf32> to vector<2500x1xf32>
    %sub3A = vector.broadcast %broadcast_in_dim3A : vector<2500x1xf32> to vector<2500x2xf32>
    %sub3A_48 = arith.subf %max3A_46, %sub3A : vector<2500x2xf32>
    %exp3A = math.exp %sub3A_48 : vector<2500x2xf32>
    %reduce_sum3A = arith.constant dense<0.000000e+00> : vector<2500xf32>
    %reduce_sum3A_49 = vector.multi_reduction <add>, %exp3A, %reduce_sum3A [1] : vector<2500x2xf32> to vector<2500xf32>
    %broadcast_in_dim3A_50 = vector.shape_cast %reduce_sum3A_49 : vector<2500xf32> to vector<2500x1xf32>
    %div3A_51 = vector.broadcast %broadcast_in_dim3A_50 : vector<2500x1xf32> to vector<2500x2xf32>
    %div3A_52 = arith.divf %exp3A, %div3A_51 : vector<2500x2xf32>
    %swap3A = arith.constant 0 : index
    %swap3A_53 = arith.constant 0 : index
    %swap3A_54 = vector.load %arg6[%swap3A, %swap3A_53] : memref<2500x2xf32, #tpu.memory_space<vmem>>, vector<2500x2xf32>
    tpu.vector_store %arg6[%swap3A, %swap3A_53], %div3A_52 {strides = array<i32>} : memref<2500x2xf32, #tpu.memory_space<vmem>>, vector<2500x2xf32>,
    return
  }
}

</mosaic_0001>

<sc_bundles>
// kernel: kernel.6.cloned.1.call-start
scs
__scs_entry_jumppad:
0x0: {  	(pc) =	sbr.rel $0x88, $3  }
0x1: {  	(tag) =	ssettag $0x0;
	lr =	simm.s32 $0x1  }
0x2: {  	[smem:$0x3F96] =	sst lr;
	_ =	strace $0xD0000000  }
0x3: {  	_ = 	snop  }
0x4: {  	_ = 	snop  }
0x5: {  	_ = 	snop  }
0x6: {  	_ = 	snop  }
0x7: {  	_ = 	snop  }
__scs_overlays_trampoline_lowered:
0x8: {  	[smem:$0x3FA5] =	sst s0  }
0x9: {  	[smem:$0x3FA6] =	sst s1  }
0xa: {  	[smem:$0x3FA7] =	sst s2  }
0xb: {  	[smem:$0x3FA8] =	sst s3  }
0xc: {  	[smem:$0x3FA9] =	sst s4  }
0xd: {  	[smem:$0x3FAA] =	sst s5  }
0xe: {  	[smem:$0x3FAB] =	sst s6  }
0xf: {  	[smem:$0x3FAC] =	sst s7  }
0x10: {  	[smem:$0x3FAD] =	sst s8  }
0x11: {  	[smem:$0x3FAE] =	sst s9;
	s0 =	simm.s32 @!p0 $0x0  }
0x12: {  	s1 =	sld [smem:$0x3F94];
	s0 =	simm.s32 @p0 $0x1  }
0x13: {  	[smem:$0x3FAF] =	sst s0;
	s0 =	simm.s32 @!p1 $0x0  }
0x14: {  	s2 =	sld [smem:$0x3F93];
	s0 =	simm.s32 @p1 $0x1  }
0x15: {  	[smem:$0x3FB0] =	sst s0;
	s0 =	simm.s32 @!p2 $0x0  }
0x16: {  	s3 =	sld [smem:$0x3FDB];
	s0 =	simm.s32 @p2 $0x1  }
0x17: {  	s4 =	simm.s32 $0x1BF5;
	[smem:$0x3FB2] =	sst s0  }
0x18: {  	s0 =	sld [smem:$0x3F95];
	_ =	swait.ge [sflag:s4], $0x0  }
0x19: {  	s7 =	sld [smem:$0x3F96]  }
0x1a: {  	s8 =	sadd.s32 $0xFFFFE003, lr  }
0x1b: {  	s9 =	sadd.s32 $0xFFFFFEF7, lr;
	s5 =	simm.s32 $0xFFFFFFFF;
	p2 =	slt.u32 s8, $0xFFFFF086  }
0x1c: {  	p1 =	slt.u32 s9, $0xF7A;
	s5 =	simm.s32 @!p2 $0x0  }
0x1d: {  	s5 =	simm.s32 @p1 $0x1;
	p0 =	seq.s32 s7, s2  }
0x1e: {  	s7 =	smul.u32 @!p0 $0xF7A, s2;
	p2 =	seq.s32 @!p0 s5, $0x0  }
0x1f: {  	s9 =	smul.u32 $0xF7A, s1;
	s8 =	simm.s32 @!p0 $0x1BF5;
	p2 =	por !p2, p0  }
0x20: {  	[sflag:s8] =	ssyncset.s32 @!p0 $0xFFFFF086;
	s6 =	sadd.s32 @!p0 s3, s7;
	s7 =	simm.s32 @!p0 $0x108  }
0x21: {  	s3 =	sadd.s32 s3, s9;
	s6 =	sadd.s32 @!p0 $0x88, s6;
	s7 =	simm.s32 @p2 $0x1082  }
0x22: {  	[simem:s7], [sflag:s8] =	dma.local @!p0 [hbm:s6], $0xF7A  }
0x23: {  	s9 =	sor.u32 $0xD0000000, s2;
	s6 =	simm.s32 $0x108;
	_ =	swait.ge @!p0 [sflag:s8], $0x0  }
0x24: {  	s3 =	sadd.s32 $0x88, s3;
	s6 =	simm.s32 @!p1 $0x1082;
	[sflag:s4] =	ssyncset.s32 $0xFFFFF086  }
0x25: {  	[simem:s6], [sflag:s4] =	dma.local [hbm:s3], $0xF7A  }
0x26: {  	[smem:$0x3F96] =	sst s1;
	(tag) =	ssettag s2;
	_ =	strace s9  }
0x27: {  	s1 =	sld [smem:$0x3FA6]  }
0x28: {  	s2 =	sld [smem:$0x3FA7]  }
0x29: {  	s4 =	sld [smem:$0x3FA9]  }
0x2a: {  	p0 =	seq.s32 s5, $0x0;
	s5 =	sld [smem:$0x3FAA]  }
0x2b: {  	s6 =	sld [smem:$0x3FAB]  }
0x2c: {  	s7 =	sld [smem:$0x3FAC]  }
0x2d: {  	s3 =	simm.s32 $0x108;
	s8 =	sld [smem:$0x3FAD]  }
0x2e: {  	s3 =	simm.s32 @!p0 $0x1082;
	s9 =	sld [smem:$0x3FAE]  }
0x2f: {  	lr =	sadd.s32 s0, s3;
	s0 =	sld [smem:$0x3FA5]  }
0x30: {  	s3 =	sld [smem:$0x3FA8]  }
0x31: {  	[smem:$0x3FB1] =	sst s10  }
0x32: {  	s10 =	sld [smem:$0x3FAF];
	_ =	sdelay $0x3  }
0x33: {  	p0 =	seq.s32 s10, $0x1;
	s10 =	sld [smem:$0x3FB1];
	_ =	sdelay $0x3  }
0x34: {  	[smem:$0x3FB1] =	sst s10  }
0x35: {  	s10 =	sld [smem:$0x3FB0];
	_ =	sdelay $0x3  }
0x36: {  	p1 =	seq.s32 s10, $0x1;
	s10 =	sld [smem:$0x3FB1];
	_ =	sdelay $0x3  }
0x37: {  	[smem:$0x3FB1] =	sst s10  }
0x38: {  	s10 =	sld [smem:$0x3FB2]  }
0x39: {  	_ = 	snop;
	(pc) =	sbr.ind lr, $3  }
0x3a: {  	_ = 	snop  }
0x3b: {  	_ = 	snop  }
0x3c: {  	p2 =	seq.s32 s10, $0x1;
	s10 =	sld [smem:$0x3FB1]  }
0x3d: {  	_ =	shalt  }
0x3e: {  	_ =	shalt  }
0x3f: {  	_ =	shalt  }
0x40: {  	_ =	shalt  }
0x41: {  	_ =	shalt  }
0x42: {  	_ =	shalt  }
0x43: {  	_ =	shalt  }
0x44: {  	_ =	shalt  }
0x45: {  	_ =	shalt  }
0x46: {  	_ =	shalt  }
0x47: {  	_ =	shalt  }
0x48: {  	_ =	shalt  }
0x49: {  	_ =	shalt  }
0x4a: {  	_ =	shalt  }
0x4b: {  	_ =	shalt  }
0x4c: {  	_ =	shalt  }
0x4d: {  	_ =	shalt  }
0x4e: {  	_ =	shalt  }
0x4f: {  	_ =	shalt  }
0x50: {  	_ =	shalt  }
0x51: {  	_ =	shalt  }
0x52: {  	_ =	shalt  }
0x53: {  	_ =	shalt  }
0x54: {  	_ =	shalt  }
0x55: {  	_ =	shalt  }
0x56: {  	_ =	shalt  }
0x57: {  	_ =	shalt  }
0x58: {  	_ =	shalt  }
0x59: {  	_ =	shalt  }
0x5a: {  	_ =	shalt  }
0x5b: {  	_ =	shalt  }
0x5c: {  	_ =	shalt  }
0x5d: {  	_ =	shalt  }
0x5e: {  	_ =	shalt  }
0x5f: {  	_ =	shalt  }
0x60: {  	_ =	shalt  }
0x61: {  	_ =	shalt  }
0x62: {  	_ =	shalt  }
0x63: {  	_ =	shalt  }
0x64: {  	_ =	shalt  }
0x65: {  	_ =	shalt  }
0x66: {  	_ =	shalt  }
0x67: {  	_ =	shalt  }
0x68: {  	_ =	shalt  }
0x69: {  	_ =	shalt  }
0x6a: {  	_ =	shalt  }
0x6b: {  	_ =	shalt  }
0x6c: {  	_ =	shalt  }
0x6d: {  	_ =	shalt  }
0x6e: {  	_ =	shalt  }
0x6f: {  	_ =	shalt  }
0x70: {  	_ =	shalt  }
0x71: {  	_ =	shalt  }
0x72: {  	_ =	shalt  }
0x73: {  	_ =	shalt  }
0x74: {  	_ =	shalt  }
0x75: {  	_ =	shalt  }
0x76: {  	_ =	shalt  }
0x77: {  	_ =	shalt  }
0x78: {  	_ =	shalt  }
0x79: {  	_ =	shalt  }
0x7a: {  	_ =	shalt  }
0x7b: {  	_ =	shalt  }
0x7c: {  	_ =	shalt  }
0x7d: {  	_ =	shalt  }
0x7e: {  	_ =	shalt  }
0x7f: {  	_ =	shalt  }
0x80: {  	_ =	shalt  }
0x81: {  	_ =	shalt  }
0x82: {  	_ =	shalt  }
0x83: {  	_ =	shalt  }
0x84: {  	_ =	shalt  }
0x85: {  	_ =	shalt  }
0x86: {  	_ =	shalt  }
0x87: {  	_ =	shalt  }
.Lfunc_end0:
.L_simem_size_0:
called_computation_lowered:
.L_overlay_start_0:
0x88: {  	s2 =	sld [smem:$0x3FD9]  }
0x89: {  	s3 =	sld [smem:$0x3FFE];
	_ =	sdelay $0x1  }
0x8a: {  	s1 =	srdreg.scid  }
0x8b: {  	s0 =	sand.u32 $0x1, s1  }
0x8c: {  	s16 =	sshll.u32 s0, $0xA;
	s2 =	sadd.s32 s3, s2  }
0x8d: {  	s2 =	sadd.s32 s2, s16  }
0x8e: {  	[smem:$0x3FBD] =	sst s2  }
0x8f: {  	_ = 	snop  }
0x90: {  	(tm) =	ssettm $0x1  }
0x91: {  	s17 =	sld [smem:$0x3FFB];
	_ =	sdelay $0x3  }
0x92: {  	_ =	strace s17  }
0x93: {  	s2 =	sld [smem:$0x3FFC];
	_ =	sdelay $0x3  }
0x94: {  	_ =	strace s2  }
0x95: {  	s2 =	sld [smem:$0x3FFD];
	_ =	sdelay $0x3  }
0x96: {  	_ =	strace s2  }
0x97: {  	_ =	strace $0x8FFFFFFF  }
0x98: {  	s18 =	sld [smem:$0x3FDB];
	_ =	sdelay $0x1  }
0x99: {  	s19 =	simm.s32 $_scs_section_size  }
0x9a: {  	s4 =	simm.s32 $_size__tile_overlayer_lowered;
	s5 =	simm.s32 $_tile_overlayer_lowered  }
0x9b: {  	s22 =	simm.s32 $0x1BFF;
	s21 =	sshll.u32 s5, $0x1;
	s2 =	sadd.s32 s19, s18  }
0x9c: {  	s6 =	simm.s32 $0x0;
	s20 =	sshll.u32 s4, $0x1;
	s4 =	sadd.s32 s21, s2  }
0x9d: {  	[timem:s6], [sflag:s22] =	dma.local [hbm:s4], s20  }
0x9e: {  	_ =	swait.ge [sflag:s22], s20  }
0x9f: {  	s3 =	ssub.s32 $0x0, s20;
	[sflag:s22] =	ssyncset.done $0x0  }
0xa0: {  	[sflag:s22] =	ssyncadd.s32 s3;
	_ =	sdelay $0x1  }
0xa1: {  	s23 =	simm.s32 $0x1B8B  }
0xa2: {  	_ =	swait.ge [sflag:s23], $0x1  }
0xa3: {  	[sflag:s23] =	ssyncset.done $0x0  }
0xa4: {  	s25 =	simm.s32 $0x1B8E;
	s24 =	sld [smem:$0x3FFE];
	[sflag:s23] =	ssyncadd.s32 $0xFFFFFFFF  }
0xa5: {  	s26 =	simm.s32 $execute0_lowered;
	[smem:$0x3FD2] =	sst s25  }
0xa6: {  	s4 =	sshll.u32 s26, $0x1;
	_ =	strace $0x80000046;
	[dreg:$0x1] =	wrdreg $0xFFFFFFFF  }
0xa7: {  	s28 =	simm.s32 $_size_execute0_lowered;
	s2 =	sadd.s32 s2, s4;
	[dreg:$0x0] =	wrdreg $0x0  }
0xa8: {  	s4 =	sshll.u32 s28, $0x1;
	[dreg:$0x2] =	wrdreg s2  }
0xa9: {  	[dreg:$0x3] =	wrdreg s4  }
0xaa: {  	[dreg:$0x4] =	wrdreg $0xC0  }
0xab: {  	_ =	task [dreg:s6], $0x5FFFF  }
0xac: {  	[dreg:$0x1] =	wrdreg $0xFFFFFFFF  }
0xad: {  	[dreg:$0x0] =	wrdreg $0x60  }
0xae: {  	[dreg:$0x2] =	wrdreg s24  }
0xaf: {  	[dreg:$0x3] =	wrdreg $0x66000  }
0xb0: {  	[dreg:$0x4] =	wrdreg $0x102800  }
0xb1: {  	[dreg:$0x5] =	wrdreg $0x9  }
0xb2: {  	_ =	task.clear_ibuf [dreg:s6], $0x6FFFF;
	_ =	strace $0x90000046  }
0xb3: {  	s29 =	simm.s32 $0x9;
	_ =	strace $0x80000048  }
0xb4: {  	_ =	swait.ge [sflag:s29], $0x1  }
0xb5: {  	[sflag:s29] =	ssyncadd.s32 $0xFFFFFFFF  }
0xb6: {  	_ =	strace $0x90000048  }
0xb7: {  	_ =	sfence  }
0xb8: {  	s30 =	sld [smem:$0x0];
	_ =	sdelay $0x2  }
0xb9: {  	s31 =	sshll.u32 s1, $0xD;
	s1 =	sshrl.u32 s1, $0x2  }
0xba: {  	s3 =	sand.u32 $0x4000, s31;
	s1 =	sadd.s32 s1, s30  }
0xbb: {  	s0 =	sor.u32 s3, s0;
	s1 =	sshll.u32 s1, $0x11  }
0xbc: {  	s0 =	sor.u32 s1, s0  }
0xbd: {  	s0 =	sadd.s32 $0x8F2B, s0  }
0xbe: {  	[sflag:s0] =	ssyncadd.remote.s32 $0x1  }
0xbf: {  	_ =	sfence.sel $0xFFFF  }
0xc0: {  	[dreg:$0x0] =	wrdreg $0xFFFFFFFF;
	(pc) =	sbr.abs _section_cstart, $3  }
0xc1: {  	[dreg:$0x1] =	wrdreg $0xFFFFFFFF  }
0xc2: {  	_ =	task.clear_ibuf [dreg:s6], $0x2FFFF;
	_ =	strace $0x9FFFFFFF  }
0xc3: {  	(tm) =	ssettm $0x7FFFFFFF  }
tec
execute0_lowered:
.L_overlay_start_1:
0x0: {  	(tag) =	ssettag $0x1  }
0x1: {  	s0 =	rddreg [dreg:$0x0]  }
0x2: {  	s2 =	rddreg [dreg:$0x1]  }
0x3: {  	s3 =	rddreg [dreg:$0x2];
	s15 =	stileid.u32  }
0x4: {  	s4 =	simm.s32 $0x0;
	s1 =	srdreg.scid;
	s5 =	smul.u32 $0x30, s15  }
0x5: {  	s14 =	simm.s32 $0x110;
	s20 =	simm.s32 $0x6400;
	s6 =	smul.u32 $0x110, s15  }
0x6: {  	s21 =	simm.s32 $0x20;
	s28 =	simm.s32 $0x2;
	s8 =	smul.u32 $0x13900, s15  }
0x7: {  	s29 =	simm.s32 $0x0;
	s1 =	sand.u32 $0x1, s1;
	s9 =	smul.u32 $0x1390, s15  }
0x8: {  	[smem:$0x7FF] =	sst s4;
	s23 =	sshll.u32 s15, $0x6;
	s11 =	smul.u32 $0x13900, s1  }
0x9: {  	p0 =	seq.s32 s1, $0x0;
	_ =	strace $0x80000047;
	s12 =	smul.u32 $0x2720, s1  }
0xa: {  	s1 =	ssub.s32 $0x2, s1;
	s7 =	sadd.s32 $0x1100, s5;
	s5 =	sadd.s32 $0x2A00, s0  }
0xb: {  	s24 =	sshrl.u32 s9, $0x3;
	s22 =	sshrl.u32 s1, $0x1;
	s14 =	simm.s32 @!p0 $0x30  }
0xc: {  	s9 =	sadd.s32 s9, s3;
	s7 =	smov.u32 @p0 s6;
	s13 =	sadd.s32 s24, s0  }
0xd: {  	s18 =	sadd.s32 s11, s0;
	s19 =	sadd.s32 s12, s0;
	s1 =	ssub.s32 s1, s22  }
0xe: {  	[dreg:$0x6] =	wrdreg s9;
	s11 =	sadd.s32 $0x3FD20, s0;
	s26 =	sadd.s32 $0xFFFFFFFE, s14  }
0xf: {  	s17 =	sshll.u32 s14, $0x5;
	s6 =	sshll.u32 s7, $0x2;
	s7 =	sshrl.u32 s8, $0x4  }
0x10: {  	s8 =	sshrl.u32 s8, $0x1;
	s14 =	sshrl.u32 s26, $0x1;
	s15 =	sadd.s32 $0xFFFFFFE0, s17  }
0x11: {  	s16 =	sadd.s32 $0x21C0, s17;
	s17 =	sadd.s32 $0x21E0, s17;
	s30 =	sadd.s32 $0x4A600, s18  }
0x12: {  	s31 =	sadd.s32 $0x71800, s19;
	s18 =	smax.u32 s1, $0x1;
	s19 =	simm.s32 $0x3  }
0x13: {  	s26 =	simm.s32 $0x1;
	s6 =	sadd.s32 s6, s0;
	s10 =	sadd.s32 s7, s0  }
0x14: {  	s8 =	sadd.s32 s8, s2;
	s22 =	sadd.s32 s7, s30;
	s24 =	sadd.s32 s24, s31  }
0x15: {  	[dreg:$0x4] =	wrdreg s8;
	s25 =	sadd.s32 $0x29C00, s10;
	s8 =	sor.u32 $0x1C03, s23  }
0x16: {  	s10 =	sadd.s32 $0x3D600, s13;
	s12 =	sadd.s32 $0x45200, s6;
	s13 =	sadd.s32 $0x3FE00, s6  }
0x17: {  	s23 =	simm.s32 $0x4400;
	[dreg:$0x5] =	wrdreg s25;
	s25 =	simm.s32 $0x5400  }
.LBB2_1:
0x18: {  	s0 =	rddreg [dreg:$0x4]  }
0x19: {  	s7 =	rddreg [dreg:$0x5];
	s30 =	sshrl.u32 s0, $0x3  }
0x1a: {  	[spmem:s30], [sflag:s8] =	dma.local [hbm:s7], $0x1390  }
0x1b: {  	_ =	swait.ge [sflag:s19], $0x1390  }
0x1c: {  	[sflag:s19] =	ssyncset.done $0x0;
	s9 =	rddreg [dreg:$0x6]  }
0x1d: {  	[sflag:s19] =	ssyncadd.s32 $0xFFFFEC70;
	s31 =	sshrl.u32 s9, $0x3  }
0x1e: {  	[spmem:s31], [sflag:s8] =	dma.local [hbm:s10], $0x272  }
0x1f: {  	_ =	swait.ge [sflag:s19], $0x272  }
0x20: {  	[sflag:s19] =	ssyncset.done $0x0  }
0x21: {  	[sflag:s19] =	ssyncadd.s32 $0xFFFFFD8E  }
0x22: {  	[tilespmem:s20], [sflag:$0x3] =	stream.linear.gather [hbm4b:s11+s4], $0x200, $0x38;
	[tilespmem:$0x11610] =	vst v63  }
0x23: {  	_ =	swait.ge [sflag:s19], $0x200  }
0x24: {  	[sflag:s19] =	ssyncset.done $0x0  }
0x25: {  	[sflag:s19] =	ssyncadd.s32 $0xFFFFFE00  }
0x26: {  	[tilespmem:s4], [sflag:$0x3] =	stream.linear.gather [hbm4b:s12+s4], $0x2200, $0x38;
	[tilespmem:$0x11610] =	vst v63  }
0x27: {  	_ =	swait.ge [sflag:s19], $0x2200  }
0x28: {  	[sflag:s19] =	ssyncset.done $0x0  }
0x29: {  	p1 =	sne.s32 s14, $0x1;
	s0 =	simm.s32 $0x2200;
	[sflag:s19] =	ssyncadd.s32 $0xFFFFDE00  }
0x2a: {  	[tilespmem:s0], [sflag:$0x3] =	stream.linear.gather [hbm4b:s13+s4], $0x2200, $0x38;
	[tilespmem:$0x11610] =	vst v63  }
.Ltmp0:
0x2b: {  	_ =	swait.ge [sflag:s19], $0x2200;
	(pc) =	sbr.rel @!p1 .LBB2_2-.Ltmp0, $4  }
0x2c: {  	[sflag:s19] =	ssyncset.done $0x0  }
0x2d: {  	s1 =	simm.s32 $0x40;
	[sflag:s19] =	ssyncadd.s32 $0xFFFFDE00  }
0x2e: {  	s6 =	sadd.s32 $0xFFFFFFFF, s14;
	p0 =	por $0x0, $0x0;
	[bflag:$0x0] =	sbarrier.arrive $0xFFFF  }
0x2f: {  	[tilespmem:s23], [sflag:$0x1] =	stream.indirect.gather [hbm4b:s5+s21], $0x80, s4, s21, $0xb8;
	[tilespmem:$0x11610] =	vst v63  }
0x30: {  	s7 =	simm.s32 $0x20  }
0x31: {  	[tilespmem:s25], [sflag:$0x2] =	stream.indirect.gather [hbm4b:s5+s21], $0x80, s7, s21, $0xb8;
	[tilespmem:$0x11610] =	vst v63  }
0x32: {  	_ =	swait.ge [sflag:s26], $0x1000  }
0x33: {  	[sflag:s26] =	ssyncset.done $0x0  }
0x34: {  	[sflag:s26] =	ssyncadd.s32 $0xFFFFF000  }
0x35: {  	[spmem:s2] =	stream.indirect.scatter.add.bf16 [tilespmem:s23], [sflag:$0x3], $0x80, s0, s21, $0xb8;
	[tilespmem:$0x11610] =	vst v63  }
0x36: {  	_ =	swait.ge [sflag:s19], $0x1000  }
0x37: {  	[sflag:s19] =	ssyncset.done $0x0  }
0x38: {  	[sflag:s19] =	ssyncadd.s32 $0xFFFFF000  }
0x39: {  	[spmem:s3] =	stream.indirect.scatter.add.f32 [tilespmem:s20], [sflag:$0x3], $0x10, s0, s21, $0xb8;
	[tilespmem:$0x11610] =	vst v63  }
0x3a: {  	_ =	swait.ge [sflag:s19], $0x200  }
0x3b: {  	[sflag:s19] =	ssyncset.done $0x0  }
0x3c: {  	[sflag:s19] =	ssyncadd.s32 $0xFFFFFE00  }
0x3d: {  	[tilespmem:s23], [sflag:$0x1] =	stream.indirect.gather [hbm4b:s5+s21], $0x80, s1, s21, $0xb8;
	[tilespmem:$0x11610] =	vst v63  }
0x3e: {  	_ =	swait.ge [sflag:s28], $0x1000  }
0x3f: {  	[sflag:s28] =	ssyncset.done $0x0  }
0x40: {  	s9 =	simm.s32 $0x2220;
	[sflag:s28] =	ssyncadd.s32 $0xFFFFF000  }
0x41: {  	[spmem:s2] =	stream.indirect.scatter.add.bf16 [tilespmem:s25], [sflag:$0x3], $0x80, s9, s21, $0xb8;
	[tilespmem:$0x11610] =	vst v63  }
0x42: {  	p1 =	sne.s32 s6, $0x1;
	_ =	swait.ge [sflag:s19], $0x1000  }
.Ltmp1:
0x43: {  	[sflag:s19] =	ssyncset.done $0x0;
	(pc) =	sbr.rel @!p1 .LBB2_4-.Ltmp1, $4  }
0x44: {  	[sflag:s19] =	ssyncadd.s32 $0xFFFFF000  }
0x45: {  	[spmem:s3] =	stream.indirect.scatter.add.f32 [tilespmem:s20], [sflag:$0x3], $0x10, s9, s21, $0xb8;
	[tilespmem:$0x11610] =	vst v63  }
0x46: {  	p0 =	por $0x1, $0x1;
	s7 =	sadd.s32 $0xFFFFFFFF, s6;
	_ =	swait.ge [sflag:s19], $0x200  }
0x47: {  	s6 =	simm.s32 $0x2200;
	s1 =	simm.s32 $0x80;
	[sflag:s19] =	ssyncset.done $0x0  }
.LBB2_5:
0x48: {  	s9 =	sadd.s32 $0xFFFFFFE0, s1;
	[sflag:s19] =	ssyncadd.s32 $0xFFFFFE00;
	s6 =	sadd.s32 $0x40, s6  }
0x49: {  	[tilespmem:s25], [sflag:$0x2] =	stream.indirect.gather [hbm4b:s5+s21], $0x80, s9, s21, $0xb8;
	[tilespmem:$0x11610] =	vst v63  }
0x4a: {  	p1 =	sne.s32 s7, $0x1;
	s7 =	sadd.s32 $0xFFFFFFFF, s7;
	_ =	swait.ge [sflag:s26], $0x1000  }
0x4b: {  	[sflag:s26] =	ssyncset.done $0x0  }
0x4c: {  	[sflag:s26] =	ssyncadd.s32 $0xFFFFF000  }
0x4d: {  	[spmem:s2] =	stream.indirect.scatter.add.bf16 [tilespmem:s23], [sflag:$0x3], $0x80, s6, s21, $0xb8;
	[tilespmem:$0x11610] =	vst v63  }
0x4e: {  	_ =	swait.ge [sflag:s19], $0x1000  }
0x4f: {  	[sflag:s19] =	ssyncset.done $0x0  }
0x50: {  	[sflag:s19] =	ssyncadd.s32 $0xFFFFF000  }
0x51: {  	[spmem:s3] =	stream.indirect.scatter.add.f32 [tilespmem:s20], [sflag:$0x3], $0x10, s6, s21, $0xb8;
	[tilespmem:$0x11610] =	vst v63  }
0x52: {  	_ =	swait.ge [sflag:s19], $0x200  }
0x53: {  	[sflag:s19] =	ssyncset.done $0x0  }
0x54: {  	[sflag:s19] =	ssyncadd.s32 $0xFFFFFE00  }
0x55: {  	[tilespmem:s23], [sflag:$0x1] =	stream.indirect.gather [hbm4b:s5+s21], $0x80, s1, s21, $0xb8;
	[tilespmem:$0x11610] =	vst v63  }
0x56: {  	_ =	swait.ge [sflag:s28], $0x1000  }
0x57: {  	[sflag:s28] =	ssyncset.done $0x0  }
0x58: {  	s9 =	sadd.s32 $0x20, s6;
	[sflag:s28] =	ssyncadd.s32 $0xFFFFF000  }
0x59: {  	[spmem:s2] =	stream.indirect.scatter.add.bf16 [tilespmem:s25], [sflag:$0x3], $0x80, s9, s21, $0xb8;
	[tilespmem:$0x11610] =	vst v63  }
0x5a: {  	_ =	swait.ge [sflag:s19], $0x1000  }
.Ltmp2:
0x5b: {  	[sflag:s19] =	ssyncset.done $0x0;
	(pc) =	sbr.rel @p1 .LBB2_5-.Ltmp2, $4  }
0x5c: {  	[sflag:s19] =	ssyncadd.s32 $0xFFFFF000  }
0x5d: {  	[spmem:s3] =	stream.indirect.scatter.add.f32 [tilespmem:s20], [sflag:$0x3], $0x10, s9, s21, $0xb8;
	[tilespmem:$0x11610] =	vst v63  }
0x5e: {  	_ =	swait.ge [sflag:s19], $0x200  }
0x5f: {  	s1 =	sadd.s32 $0x40, s1;
	[sflag:s19] =	ssyncset.done $0x0  }
.LBB2_6:
0x60: {  	s7 =	sadd.s32 $0xFFFFFFE0, s1;
	[sflag:s19] =	ssyncadd.s32 @p0 $0xFFFFFE00  }
0x61: {  	[tilespmem:s25], [sflag:$0x2] =	stream.indirect.gather [hbm4b:s5+s21], $0x80, s7, s21, $0xb8;
	[tilespmem:$0x11610] =	vst v63  }
0x62: {  	_ =	swait.ge [sflag:s26], $0x1000  }
0x63: {  	s6 =	sadd.s32 @p0 $0x40, s6;
	[sflag:s26] =	ssyncset.done $0x0  }
0x64: {  	s0 =	smov.u32 @p0 s6;
	[sflag:s26] =	ssyncadd.s32 $0xFFFFF000  }
0x65: {  	[spmem:s2] =	stream.indirect.scatter.add.bf16 [tilespmem:s23], [sflag:$0x3], $0x80, s0, s21, $0xb8;
	[tilespmem:$0x11610] =	vst v63  }
0x66: {  	_ =	swait.ge [sflag:s19], $0x1000  }
0x67: {  	[sflag:s19] =	ssyncset.done $0x0  }
0x68: {  	[sflag:s19] =	ssyncadd.s32 $0xFFFFF000  }
0x69: {  	[spmem:s3] =	stream.indirect.scatter.add.f32 [tilespmem:s20], [sflag:$0x3], $0x10, s0, s21, $0xb8;
	[tilespmem:$0x11610] =	vst v63  }
0x6a: {  	_ =	swait.ge [sflag:s19], $0x200  }
0x6b: {  	[sflag:s19] =	ssyncset.done $0x0  }
0x6c: {  	[sflag:s19] =	ssyncadd.s32 $0xFFFFFE00  }
0x6d: {  	[tilespmem:s23], [sflag:$0x1] =	stream.indirect.gather [hbm4b:s5+s21], $0x80, s1, s21, $0xb8;
	[tilespmem:$0x11610] =	vst v63  }
0x6e: {  	_ =	swait.ge [sflag:s28], $0x1000  }
0x6f: {  	[sflag:s28] =	ssyncset.done $0x0  }
0x70: {  	s0 =	sadd.s32 $0x20, s0;
	[sflag:s28] =	ssyncadd.s32 $0xFFFFF000  }
0x71: {  	[spmem:s2] =	stream.indirect.scatter.add.bf16 [tilespmem:s25], [sflag:$0x3], $0x80, s0, s21, $0xb8;
	[tilespmem:$0x11610] =	vst v63  }
0x72: {  	_ =	swait.ge [sflag:s19], $0x1000  }
0x73: {  	[sflag:s19] =	ssyncset.done $0x0  }
0x74: {  	[sflag:s19] =	ssyncadd.s32 $0xFFFFF000  }
0x75: {  	[spmem:s3] =	stream.indirect.scatter.add.f32 [tilespmem:s20], [sflag:$0x3], $0x10, s0, s21, $0xb8;
	[tilespmem:$0x11610] =	vst v63  }
0x76: {  	_ =	swait.ge [sflag:s19], $0x200  }
0x77: {  	[sflag:s19] =	ssyncset.done $0x0  }
0x78: {  	[sflag:s19] =	ssyncadd.s32 $0xFFFFFE00  }
0x79: {  	[tilespmem:s25], [sflag:$0x2] =	stream.indirect.gather [hbm4b:s5+s21], $0x80, s15, s21, $0xb8;
	[tilespmem:$0x11610] =	vst v63  }
0x7a: {  	_ =	swait.ge [sflag:s26], $0x1000  }
0x7b: {  	[sflag:s26] =	ssyncset.done $0x0  }
0x7c: {  	[sflag:s26] =	ssyncadd.s32 $0xFFFFF000  }
0x7d: {  	[spmem:s2] =	stream.indirect.scatter.add.bf16 [tilespmem:s23], [sflag:$0x3], $0x80, s16, s21, $0xb8;
	[tilespmem:$0x11610] =	vst v63  }
0x7e: {  	_ =	swait.ge [sflag:s19], $0x1000  }
0x7f: {  	[sflag:s19] =	ssyncset.done $0x0  }
0x80: {  	[sflag:s19] =	ssyncadd.s32 $0xFFFFF000  }
0x81: {  	[spmem:s3] =	stream.indirect.scatter.add.f32 [tilespmem:s20], [sflag:$0x3], $0x10, s16, s21, $0xb8;
	[tilespmem:$0x11610] =	vst v63  }
0x82: {  	_ =	swait.ge [sflag:s19], $0x200  }
0x83: {  	[sflag:s19] =	ssyncset.done $0x0  }
0x84: {  	[sflag:s19] =	ssyncadd.s32 $0xFFFFFE00  }
0x85: {  	_ =	swait.ge [sflag:s28], $0x1000  }
0x86: {  	[sflag:s28] =	ssyncset.done $0x0  }
0x87: {  	[sflag:s28] =	ssyncadd.s32 $0xFFFFF000  }
0x88: {  	[spmem:s2] =	stream.indirect.scatter.add.bf16 [tilespmem:s25], [sflag:$0x3], $0x80, s17, s21, $0xb8;
	[tilespmem:$0x11610] =	vst v63  }
0x89: {  	_ =	swait.ge [sflag:s19], $0x1000  }
0x8a: {  	[sflag:s19] =	ssyncset.done $0x0  }
0x8b: {  	[sflag:s19] =	ssyncadd.s32 $0xFFFFF000  }
0x8c: {  	[spmem:s3] =	stream.indirect.scatter.add.f32 [tilespmem:s20], [sflag:$0x3], $0x10, s17, s21, $0xb8;
	[tilespmem:$0x11610] =	vst v63  }
0x8d: {  	_ =	swait.ge [sflag:s19], $0x200  }
0x8e: {  	[sflag:s19] =	ssyncset.done $0x0  }
0x8f: {  	[sflag:s19] =	ssyncadd.s32 $0xFFFFFE00  }
0x90: {  	[bflag:$0x0] =	sbarrier.arrive $0xFFFF  }
0x91: {  	[hbm:s22], [sflag:s8] =	dma.local [spmem:s30], $0x1390  }
0x92: {  	_ =	swait.ge [sflag:s19], $0x1390  }
0x93: {  	s29 =	sadd.s32 $0x1, s29;
	[sflag:s19] =	ssyncset.done $0x0  }
0x94: {  	p0 =	sne.s32 s29, s18;
	[sflag:s19] =	ssyncadd.s32 $0xFFFFEC70  }
0x95: {  	[hbm:s24], [sflag:s8] =	dma.local [spmem:s31], $0x272  }
.Ltmp3:
0x96: {  	_ = 	snop;
	(pc) =	sbr.rel @p0 .LBB2_1-.Ltmp3, $4  }
.Ltmp4:
0x97: {  	_ = 	snop;
	(pc) =	sbr.rel @!p0 .LBB2_7-.Ltmp4, $4  }
0x98: {  	_ =	swait.ge [sflag:s19], $0x272  }
0x99: {  	[sflag:s19] =	ssyncset.done $0x0  }
0x9a: {  	[sflag:s19] =	ssyncadd.s32 $0xFFFFFD8E  }
0x9b: {  	_ = 	snop  }
.LBB2_2:
.Ltmp5:
0x9c: {  	(pc) =	sbr.rel .LBB2_6-.Ltmp5, $2  }
0x9d: {  	_ =	sdelay $0x2  }
0x9e: {  	s6 =	simm.s32 $0x2200  }
.LBB2_4:
.Ltmp6:
0x9f: {  	(pc) =	sbr.rel .LBB2_6-.Ltmp6, $2  }
0xa0: {  	_ =	sdelay $0x2  }
0xa1: {  	s6 =	simm.s32 $0x2200  }
.LBB2_7:
0xa2: {  	_ =	sfence.sel $0x180000  }
0xa3: {  	[bflag:$0x0] =	sbarrier.arrive $0xFFFF  }
0xa4: {  	_ =	strace $0x90000047  }
0xa5: {  	s0 =	stileid.u32;
	[bflag:$0x2] =	sbarrier.arrive $0xFFFF  }
0xa6: {  	p0 =	sne.s32 s0, $0x0;
	s0 =	rddreg [dreg:$0x3]  }
0xa7: {  	s0 =	sadd.s32 @!p0 $0x100000, s0  }
0xa8: {  	[sflag:s0] =	ssyncadd.tile.s32 @!p0 $0x1;
	_ =	shalt  }
.Lfunc_end2:
_tile_overlayer_lowered:
.L_overlay_start_2:
0xa9: {  	(tag) =	ssettag $0x2  }
0xaa: {  	s0 =	rddreg [dreg:$0x0];
	s2 =	stileid.u32  }
0xab: {  	s1 =	rddreg [dreg:$0x1];
	p0 =	sne.s32 s2, $0x0  }
0xac: {  	s3 =	rddreg [dreg:$0x2];
	[bflag:$0x3] =	sbarrier.arrive $0xFFFF;
	s2 =	simm.s32 @!p0 $0x1C03  }
0xad: {  	[timem:s3], [sflag:s2] =	dma.local @!p0 [hbm:s0], s1  }
0xae: {  	s0 =	simm.s32 @!p0 $0x3  }
0xaf: {  	_ =	swait.ge @!p0 [sflag:s0], s1  }
0xb0: {  	s1 =	ssub.s32 @!p0 $0x0, s1;
	[sflag:s0] =	ssyncset.done @!p0 $0x0  }
0xb1: {  	[sflag:s0] =	ssyncadd.s32 @!p0 s1  }
0xb2: {  	[bflag:$0x3] =	sbarrier.arrive $0xFFFF  }
0xb3: {  	_ =	shalt  }

// kernel: kernel.9.cloned.1.call-start
scs
__scs_entry_jumppad:
0x0: {  	(pc) =	sbr.rel $0x88, $3  }
0x1: {  	(tag) =	ssettag $0x0;
	lr =	simm.s32 $0x1  }
0x2: {  	[smem:$0x3F96] =	sst lr;
	_ =	strace $0xD0000000  }
0x3: {  	_ = 	snop  }
0x4: {  	_ = 	snop  }
0x5: {  	_ = 	snop  }
0x6: {  	_ = 	snop  }
0x7: {  	_ = 	snop  }
__scs_overlays_trampoline_lowered:
0x8: {  	[smem:$0x3FA5] =	sst s0  }
0x9: {  	[smem:$0x3FA6] =	sst s1  }
0xa: {  	[smem:$0x3FA7] =	sst s2  }
0xb: {  	[smem:$0x3FA8] =	sst s3  }
0xc: {  	[smem:$0x3FA9] =	sst s4  }
0xd: {  	[smem:$0x3FAA] =	sst s5  }
0xe: {  	[smem:$0x3FAB] =	sst s6  }
0xf: {  	[smem:$0x3FAC] =	sst s7  }
0x10: {  	[smem:$0x3FAD] =	sst s8  }
0x11: {  	[smem:$0x3FAE] =	sst s9;
	s0 =	simm.s32 @!p0 $0x0  }
0x12: {  	s1 =	sld [smem:$0x3F94];
	s0 =	simm.s32 @p0 $0x1  }
0x13: {  	[smem:$0x3FAF] =	sst s0;
	s0 =	simm.s32 @!p1 $0x0  }
0x14: {  	s2 =	sld [smem:$0x3F93];
	s0 =	simm.s32 @p1 $0x1  }
0x15: {  	[smem:$0x3FB0] =	sst s0;
	s0 =	simm.s32 @!p2 $0x0  }
0x16: {  	s3 =	sld [smem:$0x3FDB];
	s0 =	simm.s32 @p2 $0x1  }
0x17: {  	s4 =	simm.s32 $0x1BF5;
	[smem:$0x3FB2] =	sst s0  }
0x18: {  	s0 =	sld [smem:$0x3F95];
	_ =	swait.ge [sflag:s4], $0x0  }
0x19: {  	s7 =	sld [smem:$0x3F96]  }
0x1a: {  	s8 =	sadd.s32 $0xFFFFE003, lr  }
0x1b: {  	s9 =	sadd.s32 $0xFFFFFEF7, lr;
	s5 =	simm.s32 $0xFFFFFFFF;
	p2 =	slt.u32 s8, $0xFFFFF086  }
0x1c: {  	p1 =	slt.u32 s9, $0xF7A;
	s5 =	simm.s32 @!p2 $0x0  }
0x1d: {  	s5 =	simm.s32 @p1 $0x1;
	p0 =	seq.s32 s7, s2  }
0x1e: {  	s7 =	smul.u32 @!p0 $0xF7A, s2;
	p2 =	seq.s32 @!p0 s5, $0x0  }
0x1f: {  	s9 =	smul.u32 $0xF7A, s1;
	s8 =	simm.s32 @!p0 $0x1BF5;
	p2 =	por !p2, p0  }
0x20: {  	[sflag:s8] =	ssyncset.s32 @!p0 $0xFFFFF086;
	s6 =	sadd.s32 @!p0 s3, s7;
	s7 =	simm.s32 @!p0 $0x108  }
0x21: {  	s3 =	sadd.s32 s3, s9;
	s6 =	sadd.s32 @!p0 $0x88, s6;
	s7 =	simm.s32 @p2 $0x1082  }
0x22: {  	[simem:s7], [sflag:s8] =	dma.local @!p0 [hbm:s6], $0xF7A  }
0x23: {  	s9 =	sor.u32 $0xD0000000, s2;
	s6 =	simm.s32 $0x108;
	_ =	swait.ge @!p0 [sflag:s8], $0x0  }
0x24: {  	s3 =	sadd.s32 $0x88, s3;
	s6 =	simm.s32 @!p1 $0x1082;
	[sflag:s4] =	ssyncset.s32 $0xFFFFF086  }
0x25: {  	[simem:s6], [sflag:s4] =	dma.local [hbm:s3], $0xF7A  }
0x26: {  	[smem:$0x3F96] =	sst s1;
	(tag) =	ssettag s2;
	_ =	strace s9  }
0x27: {  	s1 =	sld [smem:$0x3FA6]  }
0x28: {  	s2 =	sld [smem:$0x3FA7]  }
0x29: {  	s4 =	sld [smem:$0x3FA9]  }
0x2a: {  	p0 =	seq.s32 s5, $0x0;
	s5 =	sld [smem:$0x3FAA]  }
0x2b: {  	s6 =	sld [smem:$0x3FAB]  }
0x2c: {  	s7 =	sld [smem:$0x3FAC]  }
0x2d: {  	s3 =	simm.s32 $0x108;
	s8 =	sld [smem:$0x3FAD]  }
0x2e: {  	s3 =	simm.s32 @!p0 $0x1082;
	s9 =	sld [smem:$0x3FAE]  }
0x2f: {  	lr =	sadd.s32 s0, s3;
	s0 =	sld [smem:$0x3FA5]  }
0x30: {  	s3 =	sld [smem:$0x3FA8]  }
0x31: {  	[smem:$0x3FB1] =	sst s10  }
0x32: {  	s10 =	sld [smem:$0x3FAF];
	_ =	sdelay $0x3  }
0x33: {  	p0 =	seq.s32 s10, $0x1;
	s10 =	sld [smem:$0x3FB1];
	_ =	sdelay $0x3  }
0x34: {  	[smem:$0x3FB1] =	sst s10  }
0x35: {  	s10 =	sld [smem:$0x3FB0];
	_ =	sdelay $0x3  }
0x36: {  	p1 =	seq.s32 s10, $0x1;
	s10 =	sld [smem:$0x3FB1];
	_ =	sdelay $0x3  }
0x37: {  	[smem:$0x3FB1] =	sst s10  }
0x38: {  	s10 =	sld [smem:$0x3FB2]  }
0x39: {  	_ = 	snop;
	(pc) =	sbr.ind lr, $3  }
0x3a: {  	_ = 	snop  }
0x3b: {  	_ = 	snop  }
0x3c: {  	p2 =	seq.s32 s10, $0x1;
	s10 =	sld [smem:$0x3FB1]  }
0x3d: {  	_ =	shalt  }
0x3e: {  	_ =	shalt  }
0x3f: {  	_ =	shalt  }
0x40: {  	_ =	shalt  }
0x41: {  	_ =	shalt  }
0x42: {  	_ =	shalt  }
0x43: {  	_ =	shalt  }
0x44: {  	_ =	shalt  }
0x45: {  	_ =	shalt  }
0x46: {  	_ =	shalt  }
0x47: {  	_ =	shalt  }
0x48: {  	_ =	shalt  }
0x49: {  	_ =	shalt  }
0x4a: {  	_ =	shalt  }
0x4b: {  	_ =	shalt  }
0x4c: {  	_ =	shalt  }
0x4d: {  	_ =	shalt  }
0x4e: {  	_ =	shalt  }
0x4f: {  	_ =	shalt  }
0x50: {  	_ =	shalt  }
0x51: {  	_ =	shalt  }
0x52: {  	_ =	shalt  }
0x53: {  	_ =	shalt  }
0x54: {  	_ =	shalt  }
0x55: {  	_ =	shalt  }
0x56: {  	_ =	shalt  }
0x57: {  	_ =	shalt  }
0x58: {  	_ =	shalt  }
0x59: {  	_ =	shalt  }
0x5a: {  	_ =	shalt  }
0x5b: {  	_ =	shalt  }
0x5c: {  	_ =	shalt  }
0x5d: {  	_ =	shalt  }
0x5e: {  	_ =	shalt  }
0x5f: {  	_ =	shalt  }
0x60: {  	_ =	shalt  }
0x61: {  	_ =	shalt  }
0x62: {  	_ =	shalt  }
0x63: {  	_ =	shalt  }
0x64: {  	_ =	shalt  }
0x65: {  	_ =	shalt  }
0x66: {  	_ =	shalt  }
0x67: {  	_ =	shalt  }
0x68: {  	_ =	shalt  }
0x69: {  	_ =	shalt  }
0x6a: {  	_ =	shalt  }
0x6b: {  	_ =	shalt  }
0x6c: {  	_ =	shalt  }
0x6d: {  	_ =	shalt  }
0x6e: {  	_ =	shalt  }
0x6f: {  	_ =	shalt  }
0x70: {  	_ =	shalt  }
0x71: {  	_ =	shalt  }
0x72: {  	_ =	shalt  }
0x73: {  	_ =	shalt  }
0x74: {  	_ =	shalt  }
0x75: {  	_ =	shalt  }
0x76: {  	_ =	shalt  }
0x77: {  	_ =	shalt  }
0x78: {  	_ =	shalt  }
0x79: {  	_ =	shalt  }
0x7a: {  	_ =	shalt  }
0x7b: {  	_ =	shalt  }
0x7c: {  	_ =	shalt  }
0x7d: {  	_ =	shalt  }
0x7e: {  	_ =	shalt  }
0x7f: {  	_ =	shalt  }
0x80: {  	_ =	shalt  }
0x81: {  	_ =	shalt  }
0x82: {  	_ =	shalt  }
0x83: {  	_ =	shalt  }
0x84: {  	_ =	shalt  }
0x85: {  	_ =	shalt  }
0x86: {  	_ =	shalt  }
0x87: {  	_ =	shalt  }
.Lfunc_end0:
.L_simem_size_0:
called_computation.1_lowered:
.L_overlay_start_0:
0x88: {  	s2 =	sld [smem:$0x3FD9]  }
0x89: {  	s3 =	sld [smem:$0x3FFE];
	_ =	sdelay $0x1  }
0x8a: {  	s1 =	srdreg.scid  }
0x8b: {  	s0 =	sand.u32 $0x1, s1  }
0x8c: {  	s16 =	sshll.u32 s0, $0xA;
	s2 =	sadd.s32 s3, s2  }
0x8d: {  	s2 =	sadd.s32 s2, s16  }
0x8e: {  	[smem:$0x3FBD] =	sst s2  }
0x8f: {  	_ = 	snop  }
0x90: {  	(tm) =	ssettm $0x1  }
0x91: {  	s17 =	sld [smem:$0x3FFB];
	_ =	sdelay $0x3  }
0x92: {  	_ =	strace s17  }
0x93: {  	s2 =	sld [smem:$0x3FFC];
	_ =	sdelay $0x3  }
0x94: {  	_ =	strace s2  }
0x95: {  	s2 =	sld [smem:$0x3FFD];
	_ =	sdelay $0x3  }
0x96: {  	_ =	strace s2  }
0x97: {  	_ =	strace $0x8FFFFFFF  }
0x98: {  	s18 =	sld [smem:$0x3FDB];
	_ =	sdelay $0x1  }
0x99: {  	s19 =	simm.s32 $_scs_section_size  }
0x9a: {  	s4 =	simm.s32 $_size__tile_overlayer_lowered;
	s5 =	simm.s32 $_tile_overlayer_lowered  }
0x9b: {  	s22 =	simm.s32 $0x1BFF;
	s21 =	sshll.u32 s5, $0x1;
	s2 =	sadd.s32 s19, s18  }
0x9c: {  	s6 =	simm.s32 $0x0;
	s20 =	sshll.u32 s4, $0x1;
	s4 =	sadd.s32 s21, s2  }
0x9d: {  	[timem:s6], [sflag:s22] =	dma.local [hbm:s4], s20  }
0x9e: {  	_ =	swait.ge [sflag:s22], s20  }
0x9f: {  	s3 =	ssub.s32 $0x0, s20;
	[sflag:s22] =	ssyncset.done $0x0  }
0xa0: {  	[sflag:s22] =	ssyncadd.s32 s3;
	_ =	sdelay $0x1  }
0xa1: {  	s23 =	simm.s32 $0x1B8B  }
0xa2: {  	_ =	swait.ge [sflag:s23], $0x1  }
0xa3: {  	[sflag:s23] =	ssyncset.done $0x0  }
0xa4: {  	s25 =	simm.s32 $0x1B8E;
	s24 =	sld [smem:$0x3FFE];
	[sflag:s23] =	ssyncadd.s32 $0xFFFFFFFF  }
0xa5: {  	s26 =	simm.s32 $execute0_lowered;
	[smem:$0x3FD2] =	sst s25  }
0xa6: {  	s4 =	sshll.u32 s26, $0x1;
	_ =	strace $0x80000049;
	[dreg:$0x1] =	wrdreg $0xFFFFFFFF  }
0xa7: {  	s28 =	simm.s32 $_size_execute0_lowered;
	s2 =	sadd.s32 s2, s4;
	[dreg:$0x0] =	wrdreg $0x0  }
0xa8: {  	s4 =	sshll.u32 s28, $0x1;
	[dreg:$0x2] =	wrdreg s2  }
0xa9: {  	[dreg:$0x3] =	wrdreg s4  }
0xaa: {  	[dreg:$0x4] =	wrdreg $0xC0  }
0xab: {  	_ =	task [dreg:s6], $0x5FFFF  }
0xac: {  	[dreg:$0x1] =	wrdreg $0xFFFFFFFF  }
0xad: {  	[dreg:$0x0] =	wrdreg $0x60  }
0xae: {  	[dreg:$0x2] =	wrdreg s24  }
0xaf: {  	[dreg:$0x3] =	wrdreg $0x2C000  }
0xb0: {  	[dreg:$0x4] =	wrdreg $0x36000  }
0xb1: {  	[dreg:$0x5] =	wrdreg $0x9  }
0xb2: {  	_ =	task.clear_ibuf [dreg:s6], $0x6FFFF;
	_ =	strace $0x90000049  }
0xb3: {  	s29 =	simm.s32 $0x9;
	_ =	strace $0x8000004B  }
0xb4: {  	_ =	swait.ge [sflag:s29], $0x1  }
0xb5: {  	[sflag:s29] =	ssyncadd.s32 $0xFFFFFFFF  }
0xb6: {  	_ =	strace $0x9000004B  }
0xb7: {  	_ =	sfence  }
0xb8: {  	s30 =	sld [smem:$0x0];
	_ =	sdelay $0x2  }
0xb9: {  	s31 =	sshll.u32 s1, $0xD;
	s1 =	sshrl.u32 s1, $0x2  }
0xba: {  	s3 =	sand.u32 $0x4000, s31;
	s1 =	sadd.s32 s1, s30  }
0xbb: {  	s0 =	sor.u32 s3, s0;
	s1 =	sshll.u32 s1, $0x11  }
0xbc: {  	s0 =	sor.u32 s1, s0  }
0xbd: {  	s0 =	sadd.s32 $0x8F2B, s0  }
0xbe: {  	[sflag:s0] =	ssyncadd.remote.s32 $0x1  }
0xbf: {  	_ =	sfence.sel $0xFFFF  }
0xc0: {  	[dreg:$0x0] =	wrdreg $0xFFFFFFFF;
	(pc) =	sbr.abs _section_cstart, $3  }
0xc1: {  	[dreg:$0x1] =	wrdreg $0xFFFFFFFF  }
0xc2: {  	_ =	task.clear_ibuf [dreg:s6], $0x2FFFF;
	_ =	strace $0x9FFFFFFF  }
0xc3: {  	(tm) =	ssettm $0x7FFFFFFF  }
tec
execute0_lowered:
.L_overlay_start_1:
0x0: {  	(tag) =	ssettag $0x1  }
0x1: {  	s9 =	rddreg [dreg:$0x0]  }
0x2: {  	s2 =	rddreg [dreg:$0x1]  }
0x3: {  	s3 =	rddreg [dreg:$0x2]  }
0x4: {  	s0 =	stileid.u32;
	s4 =	srdreg.scid  }
0x5: {  	s18 =	simm.s32 $0x80;
	s19 =	simm.s32 $0x1400;
	s20 =	simm.s32 $0x1C00  }
0x6: {  	s21 =	simm.s32 $0x1;
	s22 =	simm.s32 $0x2;
	s26 =	simm.s32 $0x1300  }
0x7: {  	s28 =	simm.s32 $0x1380;
	s29 =	simm.s32 $0x0;
	s8 =	smul.u32 $0xA00, s0  }
0x8: {  	s6 =	sand.u32 $0x1, s4;
	s4 =	simm.s32 $0x0;
	s5 =	sadd.s32 $0x2A00, s9  }
0x9: {  	s31 =	sshll.u32 s0, $0x6;
	p0 =	seq.s32 s6, $0x0;
	[smem:$0x7FF] =	sst s4  }
0xa: {  	s10 =	smul.u32 $0x1400, s6;
	s6 =	ssub.s32 $0x2, s6;
	s7 =	sadd.s32 $0xA000, s8  }
0xb: {  	_ =	strace $0x8000004A;
	s24 =	sshrl.u32 s8, $0x3;
	s30 =	sshrl.u32 s6, $0x1  }
0xc: {  	s15 =	sadd.s32 s8, s2;
	s16 =	sadd.s32 s8, s3;
	s7 =	smov.u32 @p0 s8  }
0xd: {  	s12 =	sadd.s32 s24, s9;
	s13 =	sadd.s32 s10, s9;
	s14 =	ssub.s32 s6, s30  }
0xe: {  	s7 =	sshrl.u32 s7, $0x3;
	s6 =	sadd.s32 $0x5200, s12;
	s8 =	sadd.s32 $0x79000, s12  }
0xf: {  	s23 =	sadd.s32 $0x8E00, s13;
	s25 =	sadd.s32 $0x6600, s13;
	s12 =	smax.u32 s14, $0x1  }
0x10: {  	s13 =	sshrl.u32 s15, $0x3;
	s14 =	simm.s32 $0x3;
	s15 =	sshrl.u32 s16, $0x3  }
0x11: {  	s16 =	simm.s32 $0x2400;
	s11 =	sadd.s32 s7, s9;
	s7 =	sor.u32 $0x1C03, s31  }
0x12: {  	s9 =	sadd.s32 $0x7A400, s9;
	s23 =	sadd.s32 s24, s23;
	s24 =	sadd.s32 s24, s25  }
0x13: {  	s25 =	simm.s32 $0x980;
	s10 =	sadd.s32 $0x76800, s11;
	s11 =	sadd.s32 $0x7A600, s11  }
.LBB2_1:
0x14: {  	[spmem:s13], [sflag:s7] =	dma.local [hbm:s6], $0x140  }
0x15: {  	_ =	swait.ge [sflag:s14], $0x140  }
0x16: {  	[sflag:s14] =	ssyncset.done $0x0  }
0x17: {  	[sflag:s14] =	ssyncadd.s32 $0xFFFFFEC0  }
0x18: {  	[spmem:s15], [sflag:s7] =	dma.local [hbm:s8], $0x140  }
0x19: {  	_ =	swait.ge [sflag:s14], $0x140  }
0x1a: {  	[sflag:s14] =	ssyncset.done $0x0  }
0x1b: {  	[sflag:s14] =	ssyncadd.s32 $0xFFFFFEC0  }
0x1c: {  	[tilespmem:s16], [sflag:$0x3] =	stream.linear.gather [hbm4b:s9+s4], $0x800, $0x38;
	[tilespmem:$0x4000] =	vst v63  }
0x1d: {  	_ =	swait.ge [sflag:s14], $0x800  }
0x1e: {  	[sflag:s14] =	ssyncset.done $0x0  }
0x1f: {  	[sflag:s14] =	ssyncadd.s32 $0xFFFFF800  }
0x20: {  	[tilespmem:s4], [sflag:$0x3] =	stream.linear.gather [hbm4b:s10+s4], $0xA00, $0x38;
	[tilespmem:$0x4000] =	vst v63  }
0x21: {  	_ =	swait.ge [sflag:s14], $0xA00  }
0x22: {  	[sflag:s14] =	ssyncset.done $0x0  }
0x23: {  	s0 =	simm.s32 $0xA00;
	[sflag:s14] =	ssyncadd.s32 $0xFFFFF600  }
0x24: {  	[tilespmem:s0], [sflag:$0x3] =	stream.linear.gather [hbm4b:s11+s4], $0xA00, $0x38;
	[tilespmem:$0x4000] =	vst v63  }
0x25: {  	_ =	swait.ge [sflag:s14], $0xA00  }
0x26: {  	[sflag:s14] =	ssyncset.done $0x0  }
0x27: {  	[sflag:s14] =	ssyncadd.s32 $0xFFFFF600  }
0x28: {  	[bflag:$0x0] =	sbarrier.arrive $0xFFFF  }
0x29: {  	[tilespmem:s19], [sflag:$0x1] =	stream.indirect.gather [hbm4b:s5+s18], $0x10, s4, s18, $0xb8;
	[tilespmem:$0x4000] =	vst v63  }
0x2a: {  	s30 =	simm.s32 $0x80  }
0x2b: {  	[tilespmem:s20], [sflag:$0x2] =	stream.indirect.gather [hbm4b:s5+s18], $0x10, s30, s18, $0xb8;
	[tilespmem:$0x4000] =	vst v63  }
0x2c: {  	_ =	swait.ge [sflag:s21], $0x800  }
0x2d: {  	[sflag:s21] =	ssyncset.done $0x0  }
0x2e: {  	s30 =	simm.s32 $0xA00;
	[sflag:s21] =	ssyncadd.s32 $0xFFFFF800  }
0x2f: {  	[spmem:s2] =	stream.indirect.scatter.add.f32 [tilespmem:s19], [sflag:$0x3], $0x10, s30, s18, $0xb8;
	[tilespmem:$0x4000] =	vst v63  }
0x30: {  	_ =	swait.ge [sflag:s14], $0x800  }
0x31: {  	[sflag:s14] =	ssyncset.done $0x0  }
0x32: {  	[sflag:s14] =	ssyncadd.s32 $0xFFFFF800  }
0x33: {  	[spmem:s3] =	stream.indirect.scatter.add.f32 [tilespmem:s16], [sflag:$0x3], $0x10, s30, s18, $0xb8;
	[tilespmem:$0x4000] =	vst v63  }
0x34: {  	_ =	swait.ge [sflag:s14], $0x800  }
0x35: {  	[sflag:s14] =	ssyncset.done $0x0  }
0x36: {  	s30 =	simm.s32 $0x100;
	[sflag:s14] =	ssyncadd.s32 $0xFFFFF800  }
0x37: {  	[tilespmem:s19], [sflag:$0x1] =	stream.indirect.gather [hbm4b:s5+s18], $0x10, s30, s18, $0xb8;
	[tilespmem:$0x4000] =	vst v63  }
0x38: {  	_ =	swait.ge [sflag:s22], $0x800  }
0x39: {  	[sflag:s22] =	ssyncset.done $0x0  }
0x3a: {  	s30 =	simm.s32 $0xA80;
	[sflag:s22] =	ssyncadd.s32 $0xFFFFF800  }
0x3b: {  	[spmem:s2] =	stream.indirect.scatter.add.f32 [tilespmem:s20], [sflag:$0x3], $0x10, s30, s18, $0xb8;
	[tilespmem:$0x4000] =	vst v63  }
0x3c: {  	_ =	swait.ge [sflag:s14], $0x800  }
0x3d: {  	[sflag:s14] =	ssyncset.done $0x0  }
0x3e: {  	[sflag:s14] =	ssyncadd.s32 $0xFFFFF800  }
0x3f: {  	[spmem:s3] =	stream.indirect.scatter.add.f32 [tilespmem:s16], [sflag:$0x3], $0x10, s30, s18, $0xb8;
	[tilespmem:$0x4000] =	vst v63  }
0x40: {  	_ =	swait.ge [sflag:s14], $0x800  }
0x41: {  	s31 =	simm.s32 $0x800;
	s30 =	simm.s32 $0x100;
	[sflag:s14] =	ssyncset.done $0x0  }
.LBB2_2:
0x42: {  	s1 =	sadd.s32 $0x80, s30  }
0x43: {  	[sflag:s14] =	ssyncadd.s32 $0xFFFFF800;
	s0 =	smov.u32 s31;
	s17 =	sadd.s32 $0x400, s31  }
0x44: {  	[tilespmem:s20], [sflag:$0x2] =	stream.indirect.gather [hbm4b:s5+s18], $0x10, s1, s18, $0xb8;
	[tilespmem:$0x4000] =	vst v63  }
0x45: {  	p0 =	sne.s32 s31, $0x2000;
	_ =	swait.ge [sflag:s21], $0x800  }
0x46: {  	[sflag:s21] =	ssyncset.done $0x0  }
0x47: {  	s1 =	sadd.s32 $0xA00, s30;
	[sflag:s21] =	ssyncadd.s32 $0xFFFFF800  }
0x48: {  	[spmem:s2] =	stream.indirect.scatter.add.f32 [tilespmem:s19], [sflag:$0x3], $0x10, s1, s18, $0xb8;
	[tilespmem:$0x4000] =	vst v63  }
0x49: {  	_ =	swait.ge [sflag:s14], $0x800  }
0x4a: {  	[sflag:s14] =	ssyncset.done $0x0  }
0x4b: {  	[sflag:s14] =	ssyncadd.s32 $0xFFFFF800  }
0x4c: {  	[spmem:s3] =	stream.indirect.scatter.add.f32 [tilespmem:s16], [sflag:$0x3], $0x10, s1, s18, $0xb8;
	[tilespmem:$0x4000] =	vst v63  }
0x4d: {  	_ =	swait.ge [sflag:s14], $0x800  }
0x4e: {  	[sflag:s14] =	ssyncset.done $0x0  }
0x4f: {  	s1 =	sadd.s32 $0x100, s30;
	[sflag:s14] =	ssyncadd.s32 $0xFFFFF800  }
0x50: {  	[tilespmem:s19], [sflag:$0x1] =	stream.indirect.gather [hbm4b:s5+s18], $0x10, s1, s18, $0xb8;
	[tilespmem:$0x4000] =	vst v63  }
0x51: {  	_ =	swait.ge [sflag:s22], $0x800  }
0x52: {  	[sflag:s22] =	ssyncset.done $0x0  }
0x53: {  	s1 =	sadd.s32 $0xA80, s30;
	[sflag:s22] =	ssyncadd.s32 $0xFFFFF800  }
0x54: {  	[spmem:s2] =	stream.indirect.scatter.add.f32 [tilespmem:s20], [sflag:$0x3], $0x10, s1, s18, $0xb8;
	[tilespmem:$0x4000] =	vst v63  }
0x55: {  	_ =	swait.ge [sflag:s14], $0x800  }
.Ltmp0:
0x56: {  	[sflag:s14] =	ssyncset.done $0x0;
	(pc) =	sbr.rel @p0 .LBB2_2-.Ltmp0, $4  }
0x57: {  	[sflag:s14] =	ssyncadd.s32 $0xFFFFF800  }
0x58: {  	[spmem:s3] =	stream.indirect.scatter.add.f32 [tilespmem:s16], [sflag:$0x3], $0x10, s1, s18, $0xb8;
	[tilespmem:$0x4000] =	vst v63  }
0x59: {  	_ =	swait.ge [sflag:s14], $0x800  }
0x5a: {  	s31 =	smov.u32 s17;
	s30 =	sshra.s32 s0, $0x2;
	[sflag:s14] =	ssyncset.done $0x0  }
0x5b: {  	s0 =	sadd.s32 $0x80, s30;
	[sflag:s14] =	ssyncadd.s32 $0xFFFFF800  }
0x5c: {  	[tilespmem:s20], [sflag:$0x2] =	stream.indirect.gather [hbm4b:s5+s18], $0x10, s0, s18, $0xb8;
	[tilespmem:$0x4000] =	vst v63  }
0x5d: {  	_ =	swait.ge [sflag:s21], $0x800  }
0x5e: {  	[sflag:s21] =	ssyncset.done $0x0  }
0x5f: {  	s1 =	sadd.s32 $0xA00, s30;
	[sflag:s21] =	ssyncadd.s32 $0xFFFFF800  }
0x60: {  	[spmem:s2] =	stream.indirect.scatter.add.f32 [tilespmem:s19], [sflag:$0x3], $0x10, s1, s18, $0xb8;
	[tilespmem:$0x4000] =	vst v63  }
0x61: {  	_ =	swait.ge [sflag:s14], $0x800  }
0x62: {  	[sflag:s14] =	ssyncset.done $0x0  }
0x63: {  	[sflag:s14] =	ssyncadd.s32 $0xFFFFF800  }
0x64: {  	[spmem:s3] =	stream.indirect.scatter.add.f32 [tilespmem:s16], [sflag:$0x3], $0x10, s1, s18, $0xb8;
	[tilespmem:$0x4000] =	vst v63  }
0x65: {  	_ =	swait.ge [sflag:s14], $0x800  }
0x66: {  	[sflag:s14] =	ssyncset.done $0x0  }
0x67: {  	s17 =	sadd.s32 $0x100, s30;
	[sflag:s14] =	ssyncadd.s32 $0xFFFFF800  }
0x68: {  	[tilespmem:s19], [sflag:$0x1] =	stream.indirect.gather [hbm4b:s5+s18], $0x10, s17, s18, $0xb8;
	[tilespmem:$0x4000] =	vst v63  }
0x69: {  	_ =	swait.ge [sflag:s22], $0x800  }
0x6a: {  	[sflag:s22] =	ssyncset.done $0x0  }
0x6b: {  	s31 =	sadd.s32 $0xA80, s30;
	[sflag:s22] =	ssyncadd.s32 $0xFFFFF800  }
0x6c: {  	[spmem:s2] =	stream.indirect.scatter.add.f32 [tilespmem:s20], [sflag:$0x3], $0x10, s31, s18, $0xb8;
	[tilespmem:$0x4000] =	vst v63  }
0x6d: {  	_ =	swait.ge [sflag:s14], $0x800  }
0x6e: {  	[sflag:s14] =	ssyncset.done $0x0  }
0x6f: {  	[sflag:s14] =	ssyncadd.s32 $0xFFFFF800  }
0x70: {  	[spmem:s3] =	stream.indirect.scatter.add.f32 [tilespmem:s16], [sflag:$0x3], $0x10, s31, s18, $0xb8;
	[tilespmem:$0x4000] =	vst v63  }
0x71: {  	_ =	swait.ge [sflag:s14], $0x800  }
0x72: {  	[sflag:s14] =	ssyncset.done $0x0  }
0x73: {  	[sflag:s14] =	ssyncadd.s32 $0xFFFFF800  }
0x74: {  	[tilespmem:s20], [sflag:$0x2] =	stream.indirect.gather [hbm4b:s5+s18], $0x10, s25, s18, $0xb8;
	[tilespmem:$0x4000] =	vst v63  }
0x75: {  	_ =	swait.ge [sflag:s21], $0x800  }
0x76: {  	[sflag:s21] =	ssyncset.done $0x0  }
0x77: {  	[sflag:s21] =	ssyncadd.s32 $0xFFFFF800  }
0x78: {  	[spmem:s2] =	stream.indirect.scatter.add.f32 [tilespmem:s19], [sflag:$0x3], $0x10, s26, s18, $0xb8;
	[tilespmem:$0x4000] =	vst v63  }
0x79: {  	_ =	swait.ge [sflag:s14], $0x800  }
0x7a: {  	[sflag:s14] =	ssyncset.done $0x0  }
0x7b: {  	[sflag:s14] =	ssyncadd.s32 $0xFFFFF800  }
0x7c: {  	[spmem:s3] =	stream.indirect.scatter.add.f32 [tilespmem:s16], [sflag:$0x3], $0x10, s26, s18, $0xb8;
	[tilespmem:$0x4000] =	vst v63  }
0x7d: {  	_ =	swait.ge [sflag:s14], $0x800  }
0x7e: {  	[sflag:s14] =	ssyncset.done $0x0  }
0x7f: {  	[sflag:s14] =	ssyncadd.s32 $0xFFFFF800  }
0x80: {  	_ =	swait.ge [sflag:s22], $0x800  }
0x81: {  	[sflag:s22] =	ssyncset.done $0x0  }
0x82: {  	[sflag:s22] =	ssyncadd.s32 $0xFFFFF800  }
0x83: {  	[spmem:s2] =	stream.indirect.scatter.add.f32 [tilespmem:s20], [sflag:$0x3], $0x10, s28, s18, $0xb8;
	[tilespmem:$0x4000] =	vst v63  }
0x84: {  	_ =	swait.ge [sflag:s14], $0x800  }
0x85: {  	[sflag:s14] =	ssyncset.done $0x0  }
0x86: {  	[sflag:s14] =	ssyncadd.s32 $0xFFFFF800  }
0x87: {  	[spmem:s3] =	stream.indirect.scatter.add.f32 [tilespmem:s16], [sflag:$0x3], $0x10, s28, s18, $0xb8;
	[tilespmem:$0x4000] =	vst v63  }
0x88: {  	_ =	swait.ge [sflag:s14], $0x800  }
0x89: {  	[sflag:s14] =	ssyncset.done $0x0  }
0x8a: {  	[sflag:s14] =	ssyncadd.s32 $0xFFFFF800  }
0x8b: {  	[bflag:$0x0] =	sbarrier.arrive $0xFFFF  }
0x8c: {  	[hbm:s23], [sflag:s7] =	dma.local [spmem:s13], $0x140  }
0x8d: {  	s29 =	sadd.s32 $0x1, s29;
	_ =	swait.ge [sflag:s14], $0x140  }
0x8e: {  	p0 =	sne.s32 s29, s12;
	[sflag:s14] =	ssyncset.done $0x0  }
.Ltmp1:
0x8f: {  	[sflag:s14] =	ssyncadd.s32 $0xFFFFFEC0;
	(pc) =	sbr.rel @p0 .LBB2_1-.Ltmp1, $4  }
0x90: {  	[hbm:s24], [sflag:s7] =	dma.local [spmem:s15], $0x140  }
0x91: {  	_ =	swait.ge [sflag:s14], $0x140  }
0x92: {  	[sflag:s14] =	ssyncset.done $0x0  }
0x93: {  	[sflag:s14] =	ssyncadd.s32 $0xFFFFFEC0  }
0x94: {  	_ =	sfence.sel $0x180000  }
0x95: {  	[bflag:$0x0] =	sbarrier.arrive $0xFFFF  }
0x96: {  	_ =	strace $0x9000004A  }
0x97: {  	s0 =	stileid.u32;
	[bflag:$0x2] =	sbarrier.arrive $0xFFFF  }
0x98: {  	p0 =	sne.s32 s0, $0x0;
	s0 =	rddreg [dreg:$0x3]  }
0x99: {  	s0 =	sadd.s32 @!p0 $0x100000, s0  }
0x9a: {  	[sflag:s0] =	ssyncadd.tile.s32 @!p0 $0x1;
	_ =	shalt  }
.Lfunc_end2:
_tile_overlayer_lowered:
.L_overlay_start_2:
0x9b: {  	(tag) =	ssettag $0x2  }
0x9c: {  	s0 =	rddreg [dreg:$0x0];
	s2 =	stileid.u32  }
0x9d: {  	s1 =	rddreg [dreg:$0x1];
	p0 =	sne.s32 s2, $0x0  }
0x9e: {  	s3 =	rddreg [dreg:$0x2];
	[bflag:$0x3] =	sbarrier.arrive $0xFFFF;
	s2 =	simm.s32 @!p0 $0x1C03  }
0x9f: {  	[timem:s3], [sflag:s2] =	dma.local @!p0 [hbm:s0], s1  }
0xa0: {  	s0 =	simm.s32 @!p0 $0x3  }
0xa1: {  	_ =	swait.ge @!p0 [sflag:s0], s1  }
0xa2: {  	s1 =	ssub.s32 @!p0 $0x0, s1;
	[sflag:s0] =	ssyncset.done @!p0 $0x0  }
0xa3: {  	[sflag:s0] =	ssyncadd.s32 @!p0 s1  }
0xa4: {  	[bflag:$0x3] =	sbarrier.arrive $0xFFFF  }
0xa5: {  	_ =	shalt  }

</sc_bundles>
